<compile_context>
chip_gen: v7x
topology: tpu7x:2x2x1
jax: 0.10.2.dev20260603
libtpu: 0.0.44.dev20260713+nightly
codegen_flags: <defaults>
</compile_context>

<pallas_src>
import functools

import jax
import jax.numpy as jnp
from jax import lax
from jax.experimental import pallas as pl
from jax.experimental.pallas import tpu as pltpu
from jax.experimental.pallas import tpu_sc as plsc


@functools.cache
def _build(n_atoms, num_rows, dim):
    info = plsc.get_sparse_core_info()
    nc, ns = info.num_cores, info.num_subcores
    nw = nc * ns
    per_w = -(-n_atoms // nw)
    per_w = -(-per_w // 8) * 8
    c_rows = 136
    nchunk = per_w // c_rows
    assert nchunk * c_rows == per_w
    last_base = n_atoms - per_w
    assert last_base % 8 == 0 and last_base >= 0

    mesh = plsc.VectorSubcoreMesh(core_axis_name="c", subcore_axis_name="s")

    nbuf = 6
    depth = nbuf - 2

    @functools.partial(
        pl.kernel,
        out_type=jax.ShapeDtypeStruct((n_atoms, dim), jnp.float32),
        mesh=mesh,
        scratch_types=[
            pltpu.VMEM_SHARED((num_rows + 1, dim), jnp.float32),
            pltpu.VMEM((per_w,), jnp.int32),
        ]
        + [pltpu.VMEM((c_rows, dim), jnp.float32) for _ in range(nbuf)]
        + [pltpu.SemaphoreType.DMA for _ in range(2 * nbuf)],
    )
    def k(idx_hbm, table_hbm, out_hbm, table_s, idx_v, *bufsems):
        bufs = list(bufsems[:nbuf])
        gsems = list(bufsems[nbuf : 2 * nbuf])
        ssems = list(bufsems[2 * nbuf :])
        sid = lax.axis_index("s")
        wid = sid * nc + lax.axis_index("c")
        base = jnp.minimum(wid * per_w, last_base)
        @pl.when(sid == 0)
        def _():
            pltpu.sync_copy(table_hbm, table_s.at[pl.ds(1, num_rows)])

        pltpu.sync_copy(idx_hbm.at[pl.ds(base, per_w)], idx_v)
        plsc.subcore_barrier()

        def gather(c, b):
            return pltpu.async_copy(
                table_s.at[idx_v.at[pl.ds(c * c_rows, c_rows)]], bufs[b], gsems[b]
            )

        def store(c, b):
            return pltpu.async_copy(
                bufs[b], out_hbm.at[pl.ds(base + c * c_rows, c_rows)], ssems[b]
            )

        ghandle = [None] * nbuf
        shandle = [None] * nbuf
        for b in range(depth):
            ghandle[b] = gather(b, b)
        for c in range(nchunk):
            cb = c % nbuf
            gn = c + depth
            if gn < nchunk:
                gb = gn % nbuf
                if shandle[gb] is not None:
                    shandle[gb].wait()
                ghandle[gb] = gather(gn, gb)
            ghandle[cb].wait()
            shandle[cb] = store(c, cb)
        for h in shandle:
            if h is not None:
                h.wait()

    def run(atomic_number, embeddings):
        return k(atomic_number, embeddings)

    return run


def kernel(atomic_number, embeddings):
    return _build(atomic_number.shape[0], embeddings.shape[0], embeddings.shape[1])(
        atomic_number, embeddings
    )

# --- scband reference (transcript-rebuilt; emitter-appended) ---
"""Pipeline reference for scband-atom-embedding-27307402068525 (READ-ONLY COPY).

The authoritative reference and input builder live on the scoring server;
editing this copy changes nothing except your own understanding.
"""

import jax, jax.numpy as jnp
import numpy as np

NUM_ELEMENTS = 83
EMBEDDING_DIM = 128
N_ATOMS = 100000

def setup_inputs(seed: int = 0) -> dict:
    key = jax.random.key(seed)
    k1, k2 = jax.random.split(key)
    # atomic numbers are 1-based (1..83), forward subtracts 1 for 0-based lookup
    atomic_number = jax.random.randint(k1, (N_ATOMS,), 1, NUM_ELEMENTS + 1, dtype=jnp.int64 if jax.config.jax_enable_x64 else jnp.int32)
    embeddings = jax.random.normal(k2, (NUM_ELEMENTS, EMBEDDING_DIM), dtype=jnp.float32)
    return {"atomic_number": atomic_number, "embeddings": embeddings}

def reference(atomic_number, embeddings):
    # AtomEmbedding.forward: self.embeddings(atomic_number - 1)
    idx = atomic_number - 1
    return jnp.take(embeddings, idx, axis=0)

if __name__ == "__main__":
    import jax
    _d = setup_inputs()
    print(jax.jit(kernel)(*tuple(_d.values())))

</pallas_src>

<mosaic_0001>
#map = affine_map<(d0, d1) -> (0)>
#map1 = affine_map<(d0, d1) -> (0, 0)>
module attributes {stable_mosaic.version = 14 : i64} {
  func.func @k(%arg0: i32, %arg1: i32, %arg2: memref<100000xi32, #tpu.memory_space<hbm>>, %arg3: memref<83x128xf32, #tpu.memory_space<hbm>>, %arg4: memref<100000x128xf32, #tpu.memory_space<hbm>>, %arg5: memref<84x128xf32, #tpu.memory_space<vmem_shared>>, %arg6: memref<3128xi32, #tpu.memory_space<vmem>>, %arg7: memref<136x128xf32, #tpu.memory_space<vmem>>, %arg8: memref<136x128xf32, #tpu.memory_space<vmem>>, %arg9: memref<136x128xf32, #tpu.memory_space<vmem>>, %arg10: memref<136x128xf32, #tpu.memory_space<vmem>>, %arg11: memref<136x128xf32, #tpu.memory_space<vmem>>, %arg12: memref<136x128xf32, #tpu.memory_space<vmem>>, %arg13: memref<!tpu.dma_semaphore, #tpu.memory_space<semaphore_mem>>, %arg14: memref<!tpu.dma_semaphore, #tpu.memory_space<semaphore_mem>>, %arg15: memref<!tpu.dma_semaphore, #tpu.memory_space<semaphore_mem>>, %arg16: memref<!tpu.dma_semaphore, #tpu.memory_space<semaphore_mem>>, %arg17: memref<!tpu.dma_semaphore, #tpu.memory_space<semaphore_mem>>, %arg18: memref<!tpu.dma_semaphore, #tpu.memory_space<semaphore_mem>>, %arg19: memref<!tpu.dma_semaphore, #tpu.memory_space<semaphore_mem>>, %arg20: memref<!tpu.dma_semaphore, #tpu.memory_space<semaphore_mem>>, %arg21: memref<!tpu.dma_semaphore, #tpu.memory_space<semaphore_mem>>, %arg22: memref<!tpu.dma_semaphore, #tpu.memory_space<semaphore_mem>>, %arg23: memref<!tpu.dma_semaphore, #tpu.memory_space<semaphore_mem>>, %arg24: memref<!tpu.dma_semaphore, #tpu.memory_space<semaphore_mem>>) attributes {dimension_semantics = [#tpu.dimension_semantics<core_parallel>, #tpu.dimension_semantics<subcore_parallel>], iteration_bounds = array<i64: 2, 16>, scalar_prefetch = 0 : i64, scratch_operands = 20 : i64, tpu.core_type = #tpu.core_type<sc_vector_subcore>, window_params = [{transform_indices = #map}, {transform_indices = #map1}, {transform_indices = #map1}]} {
    %mul3A = arith.constant 2 : i32
    %mul3A_0 = arith.muli %arg1, %mul3A : i32
    %add3A = arith.addi %mul3A_0, %arg0 : i32
    %mul3A_1 = arith.constant 3128 : i32
    %mul3A_2 = arith.muli %add3A, %mul3A_1 : i32
    %min3A = arith.constant 96872 : i32
    %min3A_3 = arith.minsi %mul3A_2, %min3A : i32
    %eq3A = arith.constant 0 : i32
    %eq3A_4 = arith.cmpi eq, %arg1, %eq3A : i32
    %convert_element_type3A = arith.extui %eq3A_4 : i1 to i32
    %cond3A = arith.constant 0 : i32
    %cond3A_5 = arith.cmpi ne, %convert_element_type3A, %cond3A : i32
    scf.if %cond3A_5 {
      "tpu.region"() ({
        %run_scoped3A = tpu.sem_alloc : memref<!tpu.dma_semaphore, #tpu.memory_space<semaphore_mem>>
        %dma_start3A_464 = arith.constant 1 : i32
        %dma_start3A_465 = arith.constant 0 : i32
        %dma_start3A_466 = tpu.memref_slice %arg5[%dma_start3A_464, %dma_start3A_465] : memref<84x128xf32, #tpu.memory_space<vmem_shared>> -> memref<83x128xf32, #tpu.memory_space<vmem_shared>>
        tpu.enqueue_dma source(%arg3 : memref<83x128xf32, #tpu.memory_space<hbm>>) target(%dma_start3A_466 : memref<83x128xf32, #tpu.memory_space<vmem_shared>>) target_semaphore(%run_scoped3A : memref<!tpu.dma_semaphore, #tpu.memory_space<semaphore_mem>>)
        %dma_wait3A_467 = arith.constant 1 : i32
        %dma_wait3A_468 = arith.constant 0 : i32
        %dma_wait3A_469 = tpu.memref_slice %arg5[%dma_wait3A_467, %dma_wait3A_468] : memref<84x128xf32, #tpu.memory_space<vmem_shared>> -> memref<83x128xf32, #tpu.memory_space<vmem_shared>>
        tpu.wait_dma2 semaphore(%run_scoped3A : memref<!tpu.dma_semaphore, #tpu.memory_space<semaphore_mem>>) src(%arg3 : memref<83x128xf32, #tpu.memory_space<hbm>>) dst(%dma_wait3A_469 : memref<83x128xf32, #tpu.memory_space<vmem_shared>>)
        tpu.yield
      }) : () -> ()
    } else {
    }
    "tpu.region"() ({
      %run_scoped3A = tpu.sem_alloc : memref<!tpu.dma_semaphore, #tpu.memory_space<semaphore_mem>>
      %dma_start3A_464 = tpu.memref_slice %arg2[%min3A_3] : memref<100000xi32, #tpu.memory_space<hbm>> -> memref<3128xi32, #tpu.memory_space<hbm>>
      %dma_start3A_465 = tpu.memref_slice %arg2[%min3A_3] : memref<100000xi32, #tpu.memory_space<hbm>> -> memref<3128xi32, #tpu.memory_space<hbm>>
      tpu.enqueue_dma source(%dma_start3A_465 : memref<3128xi32, #tpu.memory_space<hbm>>) target(%arg6 : memref<3128xi32, #tpu.memory_space<vmem>>) target_semaphore(%run_scoped3A : memref<!tpu.dma_semaphore, #tpu.memory_space<semaphore_mem>>)
      %dma_wait3A_466 = tpu.memref_slice %arg2[%min3A_3] : memref<100000xi32, #tpu.memory_space<hbm>> -> memref<3128xi32, #tpu.memory_space<hbm>>
      %dma_wait3A_467 = tpu.memref_slice %arg2[%min3A_3] : memref<100000xi32, #tpu.memory_space<hbm>> -> memref<3128xi32, #tpu.memory_space<hbm>>
      tpu.wait_dma2 semaphore(%run_scoped3A : memref<!tpu.dma_semaphore, #tpu.memory_space<semaphore_mem>>) src(%dma_wait3A_467 : memref<3128xi32, #tpu.memory_space<hbm>>) dst(%arg6 : memref<3128xi32, #tpu.memory_space<vmem>>)
      tpu.yield
    }) : () -> ()
    %barrier3A = arith.constant 0 : index
    tpu.barrier barrier_id(%barrier3A)
    %dma_start3A = arith.constant 0 : i32
    %dma_start3A_6 = tpu.memref_slice %arg6[%dma_start3A] : memref<3128xi32, #tpu.memory_space<vmem>> -> memref<136xi32, #tpu.memory_space<vmem>>
    %dma_start3A_7 = arith.constant 0 : i32
    %dma_start3A_8 = arith.constant 0 : i32
    %dma_start3A_9 = tpu.memref_slice %arg5[%dma_start3A_7, %dma_start3A_8] : memref<84x128xf32, #tpu.memory_space<vmem_shared>> -> memref<84x128xf32, #tpu.memory_space<vmem_shared>>
    tpu.enqueue_indirect_dma source(%dma_start3A_9 : memref<84x128xf32, #tpu.memory_space<vmem_shared>>) target(%arg7 : memref<136x128xf32, #tpu.memory_space<vmem>>) offsets(%dma_start3A_6 : memref<136xi32, #tpu.memory_space<vmem>>) semaphore(%arg13 : memref<!tpu.dma_semaphore, #tpu.memory_space<semaphore_mem>>)
    %dma_start3A_10 = arith.constant 136 : i32
    %dma_start3A_11 = tpu.memref_slice %arg6[%dma_start3A_10] : memref<3128xi32, #tpu.memory_space<vmem>> -> memref<136xi32, #tpu.memory_space<vmem>>
    %dma_start3A_12 = arith.constant 0 : i32
    %dma_start3A_13 = arith.constant 0 : i32
    %dma_start3A_14 = tpu.memref_slice %arg5[%dma_start3A_12, %dma_start3A_13] : memref<84x128xf32, #tpu.memory_space<vmem_shared>> -> memref<84x128xf32, #tpu.memory_space<vmem_shared>>
    tpu.enqueue_indirect_dma source(%dma_start3A_14 : memref<84x128xf32, #tpu.memory_space<vmem_shared>>) target(%arg8 : memref<136x128xf32, #tpu.memory_space<vmem>>) offsets(%dma_start3A_11 : memref<136xi32, #tpu.memory_space<vmem>>) semaphore(%arg14 : memref<!tpu.dma_semaphore, #tpu.memory_space<semaphore_mem>>)
    %dma_start3A_15 = arith.constant 272 : i32
    %dma_start3A_16 = tpu.memref_slice %arg6[%dma_start3A_15] : memref<3128xi32, #tpu.memory_space<vmem>> -> memref<136xi32, #tpu.memory_space<vmem>>
    %dma_start3A_17 = arith.constant 0 : i32
    %dma_start3A_18 = arith.constant 0 : i32
    %dma_start3A_19 = tpu.memref_slice %arg5[%dma_start3A_17, %dma_start3A_18] : memref<84x128xf32, #tpu.memory_space<vmem_shared>> -> memref<84x128xf32, #tpu.memory_space<vmem_shared>>
    tpu.enqueue_indirect_dma source(%dma_start3A_19 : memref<84x128xf32, #tpu.memory_space<vmem_shared>>) target(%arg9 : memref<136x128xf32, #tpu.memory_space<vmem>>) offsets(%dma_start3A_16 : memref<136xi32, #tpu.memory_space<vmem>>) semaphore(%arg15 : memref<!tpu.dma_semaphore, #tpu.memory_space<semaphore_mem>>)
    %dma_start3A_20 = arith.constant 408 : i32
    %dma_start3A_21 = tpu.memref_slice %arg6[%dma_start3A_20] : memref<3128xi32, #tpu.memory_space<vmem>> -> memref<136xi32, #tpu.memory_space<vmem>>
    %dma_start3A_22 = arith.constant 0 : i32
    %dma_start3A_23 = arith.constant 0 : i32
    %dma_start3A_24 = tpu.memref_slice %arg5[%dma_start3A_22, %dma_start3A_23] : memref<84x128xf32, #tpu.memory_space<vmem_shared>> -> memref<84x128xf32, #tpu.memory_space<vmem_shared>>
    tpu.enqueue_indirect_dma source(%dma_start3A_24 : memref<84x128xf32, #tpu.memory_space<vmem_shared>>) target(%arg10 : memref<136x128xf32, #tpu.memory_space<vmem>>) offsets(%dma_start3A_21 : memref<136xi32, #tpu.memory_space<vmem>>) semaphore(%arg16 : memref<!tpu.dma_semaphore, #tpu.memory_space<semaphore_mem>>)
    %dma_start3A_25 = arith.constant 544 : i32
    %dma_start3A_26 = tpu.memref_slice %arg6[%dma_start3A_25] : memref<3128xi32, #tpu.memory_space<vmem>> -> memref<136xi32, #tpu.memory_space<vmem>>
    %dma_start3A_27 = arith.constant 0 : i32
    %dma_start3A_28 = arith.constant 0 : i32
    %dma_start3A_29 = tpu.memref_slice %arg5[%dma_start3A_27, %dma_start3A_28] : memref<84x128xf32, #tpu.memory_space<vmem_shared>> -> memref<84x128xf32, #tpu.memory_space<vmem_shared>>
    tpu.enqueue_indirect_dma source(%dma_start3A_29 : memref<84x128xf32, #tpu.memory_space<vmem_shared>>) target(%arg11 : memref<136x128xf32, #tpu.memory_space<vmem>>) offsets(%dma_start3A_26 : memref<136xi32, #tpu.memory_space<vmem>>) semaphore(%arg17 : memref<!tpu.dma_semaphore, #tpu.memory_space<semaphore_mem>>)
    %dma_wait3A = arith.constant 0 : i32
    %dma_wait3A_30 = tpu.memref_slice %arg6[%dma_wait3A] : memref<3128xi32, #tpu.memory_space<vmem>> -> memref<136xi32, #tpu.memory_space<vmem>>
    %dma_wait3A_31 = arith.constant 0 : i32
    %dma_wait3A_32 = arith.constant 0 : i32
    %dma_wait3A_33 = tpu.memref_slice %arg5[%dma_wait3A_31, %dma_wait3A_32] : memref<84x128xf32, #tpu.memory_space<vmem_shared>> -> memref<84x128xf32, #tpu.memory_space<vmem_shared>>
    tpu.wait_indirect_dma semaphore(%arg13 : memref<!tpu.dma_semaphore, #tpu.memory_space<semaphore_mem>>) src(%dma_wait3A_33 : memref<84x128xf32, #tpu.memory_space<vmem_shared>>) dst(%arg7 : memref<136x128xf32, #tpu.memory_space<vmem>>)
    %add3A_34 = arith.constant 0 : i32
    %add3A_35 = arith.addi %min3A_3, %add3A_34 : i32
    %dma_start3A_36 = arith.constant 0 : i32
    %dma_start3A_37 = tpu.memref_slice %arg4[%add3A_35, %dma_start3A_36] : memref<100000x128xf32, #tpu.memory_space<hbm>> -> memref<136x128xf32, #tpu.memory_space<hbm>>
    %dma_start3A_38 = arith.constant 0 : i32
    %dma_start3A_39 = tpu.memref_slice %arg4[%add3A_35, %dma_start3A_38] : memref<100000x128xf32, #tpu.memory_space<hbm>> -> memref<136x128xf32, #tpu.memory_space<hbm>>
    tpu.enqueue_dma source(%arg7 : memref<136x128xf32, #tpu.memory_space<vmem>>) target(%dma_start3A_39 : memref<136x128xf32, #tpu.memory_space<hbm>>) target_semaphore(%arg19 : memref<!tpu.dma_semaphore, #tpu.memory_space<semaphore_mem>>)
    %dma_start3A_40 = arith.constant 680 : i32
    %dma_start3A_41 = tpu.memref_slice %arg6[%dma_start3A_40] : memref<3128xi32, #tpu.memory_space<vmem>> -> memref<136xi32, #tpu.memory_space<vmem>>
    %dma_start3A_42 = arith.constant 0 : i32
    %dma_start3A_43 = arith.constant 0 : i32
    %dma_start3A_44 = tpu.memref_slice %arg5[%dma_start3A_42, %dma_start3A_43] : memref<84x128xf32, #tpu.memory_space<vmem_shared>> -> memref<84x128xf32, #tpu.memory_space<vmem_shared>>
    tpu.enqueue_indirect_dma source(%dma_start3A_44 : memref<84x128xf32, #tpu.memory_space<vmem_shared>>) target(%arg12 : memref<136x128xf32, #tpu.memory_space<vmem>>) offsets(%dma_start3A_41 : memref<136xi32, #tpu.memory_space<vmem>>) semaphore(%arg18 : memref<!tpu.dma_semaphore, #tpu.memory_space<semaphore_mem>>)
    %dma_wait3A_45 = arith.constant 136 : i32
    %dma_wait3A_46 = tpu.memref_slice %arg6[%dma_wait3A_45] : memref<3128xi32, #tpu.memory_space<vmem>> -> memref<136xi32, #tpu.memory_space<vmem>>
    %dma_wait3A_47 = arith.constant 0 : i32
    %dma_wait3A_48 = arith.constant 0 : i32
    %dma_wait3A_49 = tpu.memref_slice %arg5[%dma_wait3A_47, %dma_wait3A_48] : memref<84x128xf32, #tpu.memory_space<vmem_shared>> -> memref<84x128xf32, #tpu.memory_space<vmem_shared>>
    tpu.wait_indirect_dma semaphore(%arg14 : memref<!tpu.dma_semaphore, #tpu.memory_space<semaphore_mem>>) src(%dma_wait3A_49 : memref<84x128xf32, #tpu.memory_space<vmem_shared>>) dst(%arg8 : memref<136x128xf32, #tpu.memory_space<vmem>>)
    %add3A_50 = arith.constant 136 : i32
    %add3A_51 = arith.addi %min3A_3, %add3A_50 : i32
    %dma_start3A_52 = arith.constant 0 : i32
    %dma_start3A_53 = tpu.memref_slice %arg4[%add3A_51, %dma_start3A_52] : memref<100000x128xf32, #tpu.memory_space<hbm>> -> memref<136x128xf32, #tpu.memory_space<hbm>>
    %dma_start3A_54 = arith.constant 0 : i32
    %dma_start3A_55 = tpu.memref_slice %arg4[%add3A_51, %dma_start3A_54] : memref<100000x128xf32, #tpu.memory_space<hbm>> -> memref<136x128xf32, #tpu.memory_space<hbm>>
    tpu.enqueue_dma source(%arg8 : memref<136x128xf32, #tpu.memory_space<vmem>>) target(%dma_start3A_55 : memref<136x128xf32, #tpu.memory_space<hbm>>) target_semaphore(%arg20 : memref<!tpu.dma_semaphore, #tpu.memory_space<semaphore_mem>>)
    %dma_wait3A_56 = arith.constant 0 : i32
    %dma_wait3A_57 = tpu.memref_slice %arg4[%add3A_35, %dma_wait3A_56] : memref<100000x128xf32, #tpu.memory_space<hbm>> -> memref<136x128xf32, #tpu.memory_space<hbm>>
    %dma_wait3A_58 = arith.constant 0 : i32
    %dma_wait3A_59 = tpu.memref_slice %arg4[%add3A_35, %dma_wait3A_58] : memref<100000x128xf32, #tpu.memory_space<hbm>> -> memref<136x128xf32, #tpu.memory_space<hbm>>
    tpu.wait_dma2 semaphore(%arg19 : memref<!tpu.dma_semaphore, #tpu.memory_space<semaphore_mem>>) src(%arg7 : memref<136x128xf32, #tpu.memory_space<vmem>>) dst(%dma_wait3A_59 : memref<136x128xf32, #tpu.memory_space<hbm>>)
    %dma_start3A_60 = arith.constant 816 : i32
    %dma_start3A_61 = tpu.memref_slice %arg6[%dma_start3A_60] : memref<3128xi32, #tpu.memory_space<vmem>> -> memref<136xi32, #tpu.memory_space<vmem>>
    %dma_start3A_62 = arith.constant 0 : i32
    %dma_start3A_63 = arith.constant 0 : i32
    %dma_start3A_64 = tpu.memref_slice %arg5[%dma_start3A_62, %dma_start3A_63] : memref<84x128xf32, #tpu.memory_space<vmem_shared>> -> memref<84x128xf32, #tpu.memory_space<vmem_shared>>
    tpu.enqueue_indirect_dma source(%dma_start3A_64 : memref<84x128xf32, #tpu.memory_space<vmem_shared>>) target(%arg7 : memref<136x128xf32, #tpu.memory_space<vmem>>) offsets(%dma_start3A_61 : memref<136xi32, #tpu.memory_space<vmem>>) semaphore(%arg13 : memref<!tpu.dma_semaphore, #tpu.memory_space<semaphore_mem>>)
    %dma_wait3A_65 = arith.constant 272 : i32
    %dma_wait3A_66 = tpu.memref_slice %arg6[%dma_wait3A_65] : memref<3128xi32, #tpu.memory_space<vmem>> -> memref<136xi32, #tpu.memory_space<vmem>>
    %dma_wait3A_67 = arith.constant 0 : i32
    %dma_wait3A_68 = arith.constant 0 : i32
    %dma_wait3A_69 = tpu.memref_slice %arg5[%dma_wait3A_67, %dma_wait3A_68] : memref<84x128xf32, #tpu.memory_space<vmem_shared>> -> memref<84x128xf32, #tpu.memory_space<vmem_shared>>
    tpu.wait_indirect_dma semaphore(%arg15 : memref<!tpu.dma_semaphore, #tpu.memory_space<semaphore_mem>>) src(%dma_wait3A_69 : memref<84x128xf32, #tpu.memory_space<vmem_shared>>) dst(%arg9 : memref<136x128xf32, #tpu.memory_space<vmem>>)
    %add3A_70 = arith.constant 272 : i32
    %add3A_71 = arith.addi %min3A_3, %add3A_70 : i32
    %dma_start3A_72 = arith.constant 0 : i32
    %dma_start3A_73 = tpu.memref_slice %arg4[%add3A_71, %dma_start3A_72] : memref<100000x128xf32, #tpu.memory_space<hbm>> -> memref<136x128xf32, #tpu.memory_space<hbm>>
    %dma_start3A_74 = arith.constant 0 : i32
    %dma_start3A_75 = tpu.memref_slice %arg4[%add3A_71, %dma_start3A_74] : memref<100000x128xf32, #tpu.memory_space<hbm>> -> memref<136x128xf32, #tpu.memory_space<hbm>>
    tpu.enqueue_dma source(%arg9 : memref<136x128xf32, #tpu.memory_space<vmem>>) target(%dma_start3A_75 : memref<136x128xf32, #tpu.memory_space<hbm>>) target_semaphore(%arg21 : memref<!tpu.dma_semaphore, #tpu.memory_space<semaphore_mem>>)
    %dma_wait3A_76 = arith.constant 0 : i32
    %dma_wait3A_77 = tpu.memref_slice %arg4[%add3A_51, %dma_wait3A_76] : memref<100000x128xf32, #tpu.memory_space<hbm>> -> memref<136x128xf32, #tpu.memory_space<hbm>>
    %dma_wait3A_78 = arith.constant 0 : i32
    %dma_wait3A_79 = tpu.memref_slice %arg4[%add3A_51, %dma_wait3A_78] : memref<100000x128xf32, #tpu.memory_space<hbm>> -> memref<136x128xf32, #tpu.memory_space<hbm>>
    tpu.wait_dma2 semaphore(%arg20 : memref<!tpu.dma_semaphore, #tpu.memory_space<semaphore_mem>>) src(%arg8 : memref<136x128xf32, #tpu.memory_space<vmem>>) dst(%dma_wait3A_79 : memref<136x128xf32, #tpu.memory_space<hbm>>)
    %dma_start3A_80 = arith.constant 952 : i32
    %dma_start3A_81 = tpu.memref_slice %arg6[%dma_start3A_80] : memref<3128xi32, #tpu.memory_space<vmem>> -> memref<136xi32, #tpu.memory_space<vmem>>
    %dma_start3A_82 = arith.constant 0 : i32
    %dma_start3A_83 = arith.constant 0 : i32
    %dma_start3A_84 = tpu.memref_slice %arg5[%dma_start3A_82, %dma_start3A_83] : memref<84x128xf32, #tpu.memory_space<vmem_shared>> -> memref<84x128xf32, #tpu.memory_space<vmem_shared>>
    tpu.enqueue_indirect_dma source(%dma_start3A_84 : memref<84x128xf32, #tpu.memory_space<vmem_shared>>) target(%arg8 : memref<136x128xf32, #tpu.memory_space<vmem>>) offsets(%dma_start3A_81 : memref<136xi32, #tpu.memory_space<vmem>>) semaphore(%arg14 : memref<!tpu.dma_semaphore, #tpu.memory_space<semaphore_mem>>)
    %dma_wait3A_85 = arith.constant 408 : i32
    %dma_wait3A_86 = tpu.memref_slice %arg6[%dma_wait3A_85] : memref<3128xi32, #tpu.memory_space<vmem>> -> memref<136xi32, #tpu.memory_space<vmem>>
    %dma_wait3A_87 = arith.constant 0 : i32
    %dma_wait3A_88 = arith.constant 0 : i32
    %dma_wait3A_89 = tpu.memref_slice %arg5[%dma_wait3A_87, %dma_wait3A_88] : memref<84x128xf32, #tpu.memory_space<vmem_shared>> -> memref<84x128xf32, #tpu.memory_space<vmem_shared>>
    tpu.wait_indirect_dma semaphore(%arg16 : memref<!tpu.dma_semaphore, #tpu.memory_space<semaphore_mem>>) src(%dma_wait3A_89 : memref<84x128xf32, #tpu.memory_space<vmem_shared>>) dst(%arg10 : memref<136x128xf32, #tpu.memory_space<vmem>>)
    %add3A_90 = arith.constant 408 : i32
    %add3A_91 = arith.addi %min3A_3, %add3A_90 : i32
    %dma_start3A_92 = arith.constant 0 : i32
    %dma_start3A_93 = tpu.memref_slice %arg4[%add3A_91, %dma_start3A_92] : memref<100000x128xf32, #tpu.memory_space<hbm>> -> memref<136x128xf32, #tpu.memory_space<hbm>>
    %dma_start3A_94 = arith.constant 0 : i32
    %dma_start3A_95 = tpu.memref_slice %arg4[%add3A_91, %dma_start3A_94] : memref<100000x128xf32, #tpu.memory_space<hbm>> -> memref<136x128xf32, #tpu.memory_space<hbm>>
    tpu.enqueue_dma source(%arg10 : memref<136x128xf32, #tpu.memory_space<vmem>>) target(%dma_start3A_95 : memref<136x128xf32, #tpu.memory_space<hbm>>) target_semaphore(%arg22 : memref<!tpu.dma_semaphore, #tpu.memory_space<semaphore_mem>>)
    %dma_wait3A_96 = arith.constant 0 : i32
    %dma_wait3A_97 = tpu.memref_slice %arg4[%add3A_71, %dma_wait3A_96] : memref<100000x128xf32, #tpu.memory_space<hbm>> -> memref<136x128xf32, #tpu.memory_space<hbm>>
    %dma_wait3A_98 = arith.constant 0 : i32
    %dma_wait3A_99 = tpu.memref_slice %arg4[%add3A_71, %dma_wait3A_98] : memref<100000x128xf32, #tpu.memory_space<hbm>> -> memref<136x128xf32, #tpu.memory_space<hbm>>
    tpu.wait_dma2 semaphore(%arg21 : memref<!tpu.dma_semaphore, #tpu.memory_space<semaphore_mem>>) src(%arg9 : memref<136x128xf32, #tpu.memory_space<vmem>>) dst(%dma_wait3A_99 : memref<136x128xf32, #tpu.memory_space<hbm>>)
    %dma_start3A_100 = arith.constant 1088 : i32
    %dma_start3A_101 = tpu.memref_slice %arg6[%dma_start3A_100] : memref<3128xi32, #tpu.memory_space<vmem>> -> memref<136xi32, #tpu.memory_space<vmem>>
    %dma_start3A_102 = arith.constant 0 : i32
    %dma_start3A_103 = arith.constant 0 : i32
    %dma_start3A_104 = tpu.memref_slice %arg5[%dma_start3A_102, %dma_start3A_103] : memref<84x128xf32, #tpu.memory_space<vmem_shared>> -> memref<84x128xf32, #tpu.memory_space<vmem_shared>>
    tpu.enqueue_indirect_dma source(%dma_start3A_104 : memref<84x128xf32, #tpu.memory_space<vmem_shared>>) target(%arg9 : memref<136x128xf32, #tpu.memory_space<vmem>>) offsets(%dma_start3A_101 : memref<136xi32, #tpu.memory_space<vmem>>) semaphore(%arg15 : memref<!tpu.dma_semaphore, #tpu.memory_space<semaphore_mem>>)
    %dma_wait3A_105 = arith.constant 544 : i32
    %dma_wait3A_106 = tpu.memref_slice %arg6[%dma_wait3A_105] : memref<3128xi32, #tpu.memory_space<vmem>> -> memref<136xi32, #tpu.memory_space<vmem>>
    %dma_wait3A_107 = arith.constant 0 : i32
    %dma_wait3A_108 = arith.constant 0 : i32
    %dma_wait3A_109 = tpu.memref_slice %arg5[%dma_wait3A_107, %dma_wait3A_108] : memref<84x128xf32, #tpu.memory_space<vmem_shared>> -> memref<84x128xf32, #tpu.memory_space<vmem_shared>>
    tpu.wait_indirect_dma semaphore(%arg17 : memref<!tpu.dma_semaphore, #tpu.memory_space<semaphore_mem>>) src(%dma_wait3A_109 : memref<84x128xf32, #tpu.memory_space<vmem_shared>>) dst(%arg11 : memref<136x128xf32, #tpu.memory_space<vmem>>)
    %add3A_110 = arith.constant 544 : i32
    %add3A_111 = arith.addi %min3A_3, %add3A_110 : i32
    %dma_start3A_112 = arith.constant 0 : i32
    %dma_start3A_113 = tpu.memref_slice %arg4[%add3A_111, %dma_start3A_112] : memref<100000x128xf32, #tpu.memory_space<hbm>> -> memref<136x128xf32, #tpu.memory_space<hbm>>
    %dma_start3A_114 = arith.constant 0 : i32
    %dma_start3A_115 = tpu.memref_slice %arg4[%add3A_111, %dma_start3A_114] : memref<100000x128xf32, #tpu.memory_space<hbm>> -> memref<136x128xf32, #tpu.memory_space<hbm>>
    tpu.enqueue_dma source(%arg11 : memref<136x128xf32, #tpu.memory_space<vmem>>) target(%dma_start3A_115 : memref<136x128xf32, #tpu.memory_space<hbm>>) target_semaphore(%arg23 : memref<!tpu.dma_semaphore, #tpu.memory_space<semaphore_mem>>)
    %dma_wait3A_116 = arith.constant 0 : i32
    %dma_wait3A_117 = tpu.memref_slice %arg4[%add3A_91, %dma_wait3A_116] : memref<100000x128xf32, #tpu.memory_space<hbm>> -> memref<136x128xf32, #tpu.memory_space<hbm>>
    %dma_wait3A_118 = arith.constant 0 : i32
    %dma_wait3A_119 = tpu.memref_slice %arg4[%add3A_91, %dma_wait3A_118] : memref<100000x128xf32, #tpu.memory_space<hbm>> -> memref<136x128xf32, #tpu.memory_space<hbm>>
    tpu.wait_dma2 semaphore(%arg22 : memref<!tpu.dma_semaphore, #tpu.memory_space<semaphore_mem>>) src(%arg10 : memref<136x128xf32, #tpu.memory_space<vmem>>) dst(%dma_wait3A_119 : memref<136x128xf32, #tpu.memory_space<hbm>>)
    %dma_start3A_120 = arith.constant 1224 : i32
    %dma_start3A_121 = tpu.memref_slice %arg6[%dma_start3A_120] : memref<3128xi32, #tpu.memory_space<vmem>> -> memref<136xi32, #tpu.memory_space<vmem>>
    %dma_start3A_122 = arith.constant 0 : i32
    %dma_start3A_123 = arith.constant 0 : i32
    %dma_start3A_124 = tpu.memref_slice %arg5[%dma_start3A_122, %dma_start3A_123] : memref<84x128xf32, #tpu.memory_space<vmem_shared>> -> memref<84x128xf32, #tpu.memory_space<vmem_shared>>
    tpu.enqueue_indirect_dma source(%dma_start3A_124 : memref<84x128xf32, #tpu.memory_space<vmem_shared>>) target(%arg10 : memref<136x128xf32, #tpu.memory_space<vmem>>) offsets(%dma_start3A_121 : memref<136xi32, #tpu.memory_space<vmem>>) semaphore(%arg16 : memref<!tpu.dma_semaphore, #tpu.memory_space<semaphore_mem>>)
    %dma_wait3A_125 = arith.constant 680 : i32
    %dma_wait3A_126 = tpu.memref_slice %arg6[%dma_wait3A_125] : memref<3128xi32, #tpu.memory_space<vmem>> -> memref<136xi32, #tpu.memory_space<vmem>>
    %dma_wait3A_127 = arith.constant 0 : i32
    %dma_wait3A_128 = arith.constant 0 : i32
    %dma_wait3A_129 = tpu.memref_slice %arg5[%dma_wait3A_127, %dma_wait3A_128] : memref<84x128xf32, #tpu.memory_space<vmem_shared>> -> memref<84x128xf32, #tpu.memory_space<vmem_shared>>
    tpu.wait_indirect_dma semaphore(%arg18 : memref<!tpu.dma_semaphore, #tpu.memory_space<semaphore_mem>>) src(%dma_wait3A_129 : memref<84x128xf32, #tpu.memory_space<vmem_shared>>) dst(%arg12 : memref<136x128xf32, #tpu.memory_space<vmem>>)
    %add3A_130 = arith.constant 680 : i32
    %add3A_131 = arith.addi %min3A_3, %add3A_130 : i32
    %dma_start3A_132 = arith.constant 0 : i32
    %dma_start3A_133 = tpu.memref_slice %arg4[%add3A_131, %dma_start3A_132] : memref<100000x128xf32, #tpu.memory_space<hbm>> -> memref<136x128xf32, #tpu.memory_space<hbm>>
    %dma_start3A_134 = arith.constant 0 : i32
    %dma_start3A_135 = tpu.memref_slice %arg4[%add3A_131, %dma_start3A_134] : memref<100000x128xf32, #tpu.memory_space<hbm>> -> memref<136x128xf32, #tpu.memory_space<hbm>>
    tpu.enqueue_dma source(%arg12 : memref<136x128xf32, #tpu.memory_space<vmem>>) target(%dma_start3A_135 : memref<136x128xf32, #tpu.memory_space<hbm>>) target_semaphore(%arg24 : memref<!tpu.dma_semaphore, #tpu.memory_space<semaphore_mem>>)
    %dma_wait3A_136 = arith.constant 0 : i32
    %dma_wait3A_137 = tpu.memref_slice %arg4[%add3A_111, %dma_wait3A_136] : memref<100000x128xf32, #tpu.memory_space<hbm>> -> memref<136x128xf32, #tpu.memory_space<hbm>>
    %dma_wait3A_138 = arith.constant 0 : i32
    %dma_wait3A_139 = tpu.memref_slice %arg4[%add3A_111, %dma_wait3A_138] : memref<100000x128xf32, #tpu.memory_space<hbm>> -> memref<136x128xf32, #tpu.memory_space<hbm>>
    tpu.wait_dma2 semaphore(%arg23 : memref<!tpu.dma_semaphore, #tpu.memory_space<semaphore_mem>>) src(%arg11 : memref<136x128xf32, #tpu.memory_space<vmem>>) dst(%dma_wait3A_139 : memref<136x128xf32, #tpu.memory_space<hbm>>)
    %dma_start3A_140 = arith.constant 1360 : i32
    %dma_start3A_141 = tpu.memref_slice %arg6[%dma_start3A_140] : memref<3128xi32, #tpu.memory_space<vmem>> -> memref<136xi32, #tpu.memory_space<vmem>>
    %dma_start3A_142 = arith.constant 0 : i32
    %dma_start3A_143 = arith.constant 0 : i32
    %dma_start3A_144 = tpu.memref_slice %arg5[%dma_start3A_142, %dma_start3A_143] : memref<84x128xf32, #tpu.memory_space<vmem_shared>> -> memref<84x128xf32, #tpu.memory_space<vmem_shared>>
    tpu.enqueue_indirect_dma source(%dma_start3A_144 : memref<84x128xf32, #tpu.memory_space<vmem_shared>>) target(%arg11 : memref<136x128xf32, #tpu.memory_space<vmem>>) offsets(%dma_start3A_141 : memref<136xi32, #tpu.memory_space<vmem>>) semaphore(%arg17 : memref<!tpu.dma_semaphore, #tpu.memory_space<semaphore_mem>>)
    %dma_wait3A_145 = arith.constant 816 : i32
    %dma_wait3A_146 = tpu.memref_slice %arg6[%dma_wait3A_145] : memref<3128xi32, #tpu.memory_space<vmem>> -> memref<136xi32, #tpu.memory_space<vmem>>
    %dma_wait3A_147 = arith.constant 0 : i32
    %dma_wait3A_148 = arith.constant 0 : i32
    %dma_wait3A_149 = tpu.memref_slice %arg5[%dma_wait3A_147, %dma_wait3A_148] : memref<84x128xf32, #tpu.memory_space<vmem_shared>> -> memref<84x128xf32, #tpu.memory_space<vmem_shared>>
    tpu.wait_indirect_dma semaphore(%arg13 : memref<!tpu.dma_semaphore, #tpu.memory_space<semaphore_mem>>) src(%dma_wait3A_149 : memref<84x128xf32, #tpu.memory_space<vmem_shared>>) dst(%arg7 : memref<136x128xf32, #tpu.memory_space<vmem>>)
    %add3A_150 = arith.constant 816 : i32
    %add3A_151 = arith.addi %min3A_3, %add3A_150 : i32
    %dma_start3A_152 = arith.constant 0 : i32
    %dma_start3A_153 = tpu.memref_slice %arg4[%add3A_151, %dma_start3A_152] : memref<100000x128xf32, #tpu.memory_space<hbm>> -> memref<136x128xf32, #tpu.memory_space<hbm>>
    %dma_start3A_154 = arith.constant 0 : i32
    %dma_start3A_155 = tpu.memref_slice %arg4[%add3A_151, %dma_start3A_154] : memref<100000x128xf32, #tpu.memory_space<hbm>> -> memref<136x128xf32, #tpu.memory_space<hbm>>
    tpu.enqueue_dma source(%arg7 : memref<136x128xf32, #tpu.memory_space<vmem>>) target(%dma_start3A_155 : memref<136x128xf32, #tpu.memory_space<hbm>>) target_semaphore(%arg19 : memref<!tpu.dma_semaphore, #tpu.memory_space<semaphore_mem>>)
    %dma_wait3A_156 = arith.constant 0 : i32
    %dma_wait3A_157 = tpu.memref_slice %arg4[%add3A_131, %dma_wait3A_156] : memref<100000x128xf32, #tpu.memory_space<hbm>> -> memref<136x128xf32, #tpu.memory_space<hbm>>
    %dma_wait3A_158 = arith.constant 0 : i32
    %dma_wait3A_159 = tpu.memref_slice %arg4[%add3A_131, %dma_wait3A_158] : memref<100000x128xf32, #tpu.memory_space<hbm>> -> memref<136x128xf32, #tpu.memory_space<hbm>>
    tpu.wait_dma2 semaphore(%arg24 : memref<!tpu.dma_semaphore, #tpu.memory_space<semaphore_mem>>) src(%arg12 : memref<136x128xf32, #tpu.memory_space<vmem>>) dst(%dma_wait3A_159 : memref<136x128xf32, #tpu.memory_space<hbm>>)
    %dma_start3A_160 = arith.constant 1496 : i32
    %dma_start3A_161 = tpu.memref_slice %arg6[%dma_start3A_160] : memref<3128xi32, #tpu.memory_space<vmem>> -> memref<136xi32, #tpu.memory_space<vmem>>
    %dma_start3A_162 = arith.constant 0 : i32
    %dma_start3A_163 = arith.constant 0 : i32
    %dma_start3A_164 = tpu.memref_slice %arg5[%dma_start3A_162, %dma_start3A_163] : memref<84x128xf32, #tpu.memory_space<vmem_shared>> -> memref<84x128xf32, #tpu.memory_space<vmem_shared>>
    tpu.enqueue_indirect_dma source(%dma_start3A_164 : memref<84x128xf32, #tpu.memory_space<vmem_shared>>) target(%arg12 : memref<136x128xf32, #tpu.memory_space<vmem>>) offsets(%dma_start3A_161 : memref<136xi32, #tpu.memory_space<vmem>>) semaphore(%arg18 : memref<!tpu.dma_semaphore, #tpu.memory_space<semaphore_mem>>)
    %dma_wait3A_165 = arith.constant 952 : i32
    %dma_wait3A_166 = tpu.memref_slice %arg6[%dma_wait3A_165] : memref<3128xi32, #tpu.memory_space<vmem>> -> memref<136xi32, #tpu.memory_space<vmem>>
    %dma_wait3A_167 = arith.constant 0 : i32
    %dma_wait3A_168 = arith.constant 0 : i32
    %dma_wait3A_169 = tpu.memref_slice %arg5[%dma_wait3A_167, %dma_wait3A_168] : memref<84x128xf32, #tpu.memory_space<vmem_shared>> -> memref<84x128xf32, #tpu.memory_space<vmem_shared>>
    tpu.wait_indirect_dma semaphore(%arg14 : memref<!tpu.dma_semaphore, #tpu.memory_space<semaphore_mem>>) src(%dma_wait3A_169 : memref<84x128xf32, #tpu.memory_space<vmem_shared>>) dst(%arg8 : memref<136x128xf32, #tpu.memory_space<vmem>>)
    %add3A_170 = arith.constant 952 : i32
    %add3A_171 = arith.addi %min3A_3, %add3A_170 : i32
    %dma_start3A_172 = arith.constant 0 : i32
    %dma_start3A_173 = tpu.memref_slice %arg4[%add3A_171, %dma_start3A_172] : memref<100000x128xf32, #tpu.memory_space<hbm>> -> memref<136x128xf32, #tpu.memory_space<hbm>>
    %dma_start3A_174 = arith.constant 0 : i32
    %dma_start3A_175 = tpu.memref_slice %arg4[%add3A_171, %dma_start3A_174] : memref<100000x128xf32, #tpu.memory_space<hbm>> -> memref<136x128xf32, #tpu.memory_space<hbm>>
    tpu.enqueue_dma source(%arg8 : memref<136x128xf32, #tpu.memory_space<vmem>>) target(%dma_start3A_175 : memref<136x128xf32, #tpu.memory_space<hbm>>) target_semaphore(%arg20 : memref<!tpu.dma_semaphore, #tpu.memory_space<semaphore_mem>>)
    %dma_wait3A_176 = arith.constant 0 : i32
    %dma_wait3A_177 = tpu.memref_slice %arg4[%add3A_151, %dma_wait3A_176] : memref<100000x128xf32, #tpu.memory_space<hbm>> -> memref<136x128xf32, #tpu.memory_space<hbm>>
    %dma_wait3A_178 = arith.constant 0 : i32
    %dma_wait3A_179 = tpu.memref_slice %arg4[%add3A_151, %dma_wait3A_178] : memref<100000x128xf32, #tpu.memory_space<hbm>> -> memref<136x128xf32, #tpu.memory_space<hbm>>
    tpu.wait_dma2 semaphore(%arg19 : memref<!tpu.dma_semaphore, #tpu.memory_space<semaphore_mem>>) src(%arg7 : memref<136x128xf32, #tpu.memory_space<vmem>>) dst(%dma_wait3A_179 : memref<136x128xf32, #tpu.memory_space<hbm>>)
    %dma_start3A_180 = arith.constant 1632 : i32
    %dma_start3A_181 = tpu.memref_slice %arg6[%dma_start3A_180] : memref<3128xi32, #tpu.memory_space<vmem>> -> memref<136xi32, #tpu.memory_space<vmem>>
    %dma_start3A_182 = arith.constant 0 : i32
    %dma_start3A_183 = arith.constant 0 : i32
    %dma_start3A_184 = tpu.memref_slice %arg5[%dma_start3A_182, %dma_start3A_183] : memref<84x128xf32, #tpu.memory_space<vmem_shared>> -> memref<84x128xf32, #tpu.memory_space<vmem_shared>>
    tpu.enqueue_indirect_dma source(%dma_start3A_184 : memref<84x128xf32, #tpu.memory_space<vmem_shared>>) target(%arg7 : memref<136x128xf32, #tpu.memory_space<vmem>>) offsets(%dma_start3A_181 : memref<136xi32, #tpu.memory_space<vmem>>) semaphore(%arg13 : memref<!tpu.dma_semaphore, #tpu.memory_space<semaphore_mem>>)
    %dma_wait3A_185 = arith.constant 1088 : i32
    %dma_wait3A_186 = tpu.memref_slice %arg6[%dma_wait3A_185] : memref<3128xi32, #tpu.memory_space<vmem>> -> memref<136xi32, #tpu.memory_space<vmem>>
    %dma_wait3A_187 = arith.constant 0 : i32
    %dma_wait3A_188 = arith.constant 0 : i32
    %dma_wait3A_189 = tpu.memref_slice %arg5[%dma_wait3A_187, %dma_wait3A_188] : memref<84x128xf32, #tpu.memory_space<vmem_shared>> -> memref<84x128xf32, #tpu.memory_space<vmem_shared>>
    tpu.wait_indirect_dma semaphore(%arg15 : memref<!tpu.dma_semaphore, #tpu.memory_space<semaphore_mem>>) src(%dma_wait3A_189 : memref<84x128xf32, #tpu.memory_space<vmem_shared>>) dst(%arg9 : memref<136x128xf32, #tpu.memory_space<vmem>>)
    %add3A_190 = arith.constant 1088 : i32
    %add3A_191 = arith.addi %min3A_3, %add3A_190 : i32
    %dma_start3A_192 = arith.constant 0 : i32
    %dma_start3A_193 = tpu.memref_slice %arg4[%add3A_191, %dma_start3A_192] : memref<100000x128xf32, #tpu.memory_space<hbm>> -> memref<136x128xf32, #tpu.memory_space<hbm>>
    %dma_start3A_194 = arith.constant 0 : i32
    %dma_start3A_195 = tpu.memref_slice %arg4[%add3A_191, %dma_start3A_194] : memref<100000x128xf32, #tpu.memory_space<hbm>> -> memref<136x128xf32, #tpu.memory_space<hbm>>
    tpu.enqueue_dma source(%arg9 : memref<136x128xf32, #tpu.memory_space<vmem>>) target(%dma_start3A_195 : memref<136x128xf32, #tpu.memory_space<hbm>>) target_semaphore(%arg21 : memref<!tpu.dma_semaphore, #tpu.memory_space<semaphore_mem>>)
    %dma_wait3A_196 = arith.constant 0 : i32
    %dma_wait3A_197 = tpu.memref_slice %arg4[%add3A_171, %dma_wait3A_196] : memref<100000x128xf32, #tpu.memory_space<hbm>> -> memref<136x128xf32, #tpu.memory_space<hbm>>
    %dma_wait3A_198 = arith.constant 0 : i32
    %dma_wait3A_199 = tpu.memref_slice %arg4[%add3A_171, %dma_wait3A_198] : memref<100000x128xf32, #tpu.memory_space<hbm>> -> memref<136x128xf32, #tpu.memory_space<hbm>>
    tpu.wait_dma2 semaphore(%arg20 : memref<!tpu.dma_semaphore, #tpu.memory_space<semaphore_mem>>) src(%arg8 : memref<136x128xf32, #tpu.memory_space<vmem>>) dst(%dma_wait3A_199 : memref<136x128xf32, #tpu.memory_space<hbm>>)
    %dma_start3A_200 = arith.constant 1768 : i32
    %dma_start3A_201 = tpu.memref_slice %arg6[%dma_start3A_200] : memref<3128xi32, #tpu.memory_space<vmem>> -> memref<136xi32, #tpu.memory_space<vmem>>
    %dma_start3A_202 = arith.constant 0 : i32
    %dma_start3A_203 = arith.constant 0 : i32
    %dma_start3A_204 = tpu.memref_slice %arg5[%dma_start3A_202, %dma_start3A_203] : memref<84x128xf32, #tpu.memory_space<vmem_shared>> -> memref<84x128xf32, #tpu.memory_space<vmem_shared>>
    tpu.enqueue_indirect_dma source(%dma_start3A_204 : memref<84x128xf32, #tpu.memory_space<vmem_shared>>) target(%arg8 : memref<136x128xf32, #tpu.memory_space<vmem>>) offsets(%dma_start3A_201 : memref<136xi32, #tpu.memory_space<vmem>>) semaphore(%arg14 : memref<!tpu.dma_semaphore, #tpu.memory_space<semaphore_mem>>)
    %dma_wait3A_205 = arith.constant 1224 : i32
    %dma_wait3A_206 = tpu.memref_slice %arg6[%dma_wait3A_205] : memref<3128xi32, #tpu.memory_space<vmem>> -> memref<136xi32, #tpu.memory_space<vmem>>
    %dma_wait3A_207 = arith.constant 0 : i32
    %dma_wait3A_208 = arith.constant 0 : i32
    %dma_wait3A_209 = tpu.memref_slice %arg5[%dma_wait3A_207, %dma_wait3A_208] : memref<84x128xf32, #tpu.memory_space<vmem_shared>> -> memref<84x128xf32, #tpu.memory_space<vmem_shared>>
    tpu.wait_indirect_dma semaphore(%arg16 : memref<!tpu.dma_semaphore, #tpu.memory_space<semaphore_mem>>) src(%dma_wait3A_209 : memref<84x128xf32, #tpu.memory_space<vmem_shared>>) dst(%arg10 : memref<136x128xf32, #tpu.memory_space<vmem>>)
    %add3A_210 = arith.constant 1224 : i32
    %add3A_211 = arith.addi %min3A_3, %add3A_210 : i32
    %dma_start3A_212 = arith.constant 0 : i32
    %dma_start3A_213 = tpu.memref_slice %arg4[%add3A_211, %dma_start3A_212] : memref<100000x128xf32, #tpu.memory_space<hbm>> -> memref<136x128xf32, #tpu.memory_space<hbm>>
    %dma_start3A_214 = arith.constant 0 : i32
    %dma_start3A_215 = tpu.memref_slice %arg4[%add3A_211, %dma_start3A_214] : memref<100000x128xf32, #tpu.memory_space<hbm>> -> memref<136x128xf32, #tpu.memory_space<hbm>>
    tpu.enqueue_dma source(%arg10 : memref<136x128xf32, #tpu.memory_space<vmem>>) target(%dma_start3A_215 : memref<136x128xf32, #tpu.memory_space<hbm>>) target_semaphore(%arg22 : memref<!tpu.dma_semaphore, #tpu.memory_space<semaphore_mem>>)
    %dma_wait3A_216 = arith.constant 0 : i32
    %dma_wait3A_217 = tpu.memref_slice %arg4[%add3A_191, %dma_wait3A_216] : memref<100000x128xf32, #tpu.memory_space<hbm>> -> memref<136x128xf32, #tpu.memory_space<hbm>>
    %dma_wait3A_218 = arith.constant 0 : i32
    %dma_wait3A_219 = tpu.memref_slice %arg4[%add3A_191, %dma_wait3A_218] : memref<100000x128xf32, #tpu.memory_space<hbm>> -> memref<136x128xf32, #tpu.memory_space<hbm>>
    tpu.wait_dma2 semaphore(%arg21 : memref<!tpu.dma_semaphore, #tpu.memory_space<semaphore_mem>>) src(%arg9 : memref<136x128xf32, #tpu.memory_space<vmem>>) dst(%dma_wait3A_219 : memref<136x128xf32, #tpu.memory_space<hbm>>)
    %dma_start3A_220 = arith.constant 1904 : i32
    %dma_start3A_221 = tpu.memref_slice %arg6[%dma_start3A_220] : memref<3128xi32, #tpu.memory_space<vmem>> -> memref<136xi32, #tpu.memory_space<vmem>>
    %dma_start3A_222 = arith.constant 0 : i32
    %dma_start3A_223 = arith.constant 0 : i32
    %dma_start3A_224 = tpu.memref_slice %arg5[%dma_start3A_222, %dma_start3A_223] : memref<84x128xf32, #tpu.memory_space<vmem_shared>> -> memref<84x128xf32, #tpu.memory_space<vmem_shared>>
    tpu.enqueue_indirect_dma source(%dma_start3A_224 : memref<84x128xf32, #tpu.memory_space<vmem_shared>>) target(%arg9 : memref<136x128xf32, #tpu.memory_space<vmem>>) offsets(%dma_start3A_221 : memref<136xi32, #tpu.memory_space<vmem>>) semaphore(%arg15 : memref<!tpu.dma_semaphore, #tpu.memory_space<semaphore_mem>>)
    %dma_wait3A_225 = arith.constant 1360 : i32
    %dma_wait3A_226 = tpu.memref_slice %arg6[%dma_wait3A_225] : memref<3128xi32, #tpu.memory_space<vmem>> -> memref<136xi32, #tpu.memory_space<vmem>>
    %dma_wait3A_227 = arith.constant 0 : i32
    %dma_wait3A_228 = arith.constant 0 : i32
    %dma_wait3A_229 = tpu.memref_slice %arg5[%dma_wait3A_227, %dma_wait3A_228] : memref<84x128xf32, #tpu.memory_space<vmem_shared>> -> memref<84x128xf32, #tpu.memory_space<vmem_shared>>
    tpu.wait_indirect_dma semaphore(%arg17 : memref<!tpu.dma_semaphore, #tpu.memory_space<semaphore_mem>>) src(%dma_wait3A_229 : memref<84x128xf32, #tpu.memory_space<vmem_shared>>) dst(%arg11 : memref<136x128xf32, #tpu.memory_space<vmem>>)
    %add3A_230 = arith.constant 1360 : i32
    %add3A_231 = arith.addi %min3A_3, %add3A_230 : i32
    %dma_start3A_232 = arith.constant 0 : i32
    %dma_start3A_233 = tpu.memref_slice %arg4[%add3A_231, %dma_start3A_232] : memref<100000x128xf32, #tpu.memory_space<hbm>> -> memref<136x128xf32, #tpu.memory_space<hbm>>
    %dma_start3A_234 = arith.constant 0 : i32
    %dma_start3A_235 = tpu.memref_slice %arg4[%add3A_231, %dma_start3A_234] : memref<100000x128xf32, #tpu.memory_space<hbm>> -> memref<136x128xf32, #tpu.memory_space<hbm>>
    tpu.enqueue_dma source(%arg11 : memref<136x128xf32, #tpu.memory_space<vmem>>) target(%dma_start3A_235 : memref<136x128xf32, #tpu.memory_space<hbm>>) target_semaphore(%arg23 : memref<!tpu.dma_semaphore, #tpu.memory_space<semaphore_mem>>)
    %dma_wait3A_236 = arith.constant 0 : i32
    %dma_wait3A_237 = tpu.memref_slice %arg4[%add3A_211, %dma_wait3A_236] : memref<100000x128xf32, #tpu.memory_space<hbm>> -> memref<136x128xf32, #tpu.memory_space<hbm>>
    %dma_wait3A_238 = arith.constant 0 : i32
    %dma_wait3A_239 = tpu.memref_slice %arg4[%add3A_211, %dma_wait3A_238] : memref<100000x128xf32, #tpu.memory_space<hbm>> -> memref<136x128xf32, #tpu.memory_space<hbm>>
    tpu.wait_dma2 semaphore(%arg22 : memref<!tpu.dma_semaphore, #tpu.memory_space<semaphore_mem>>) src(%arg10 : memref<136x128xf32, #tpu.memory_space<vmem>>) dst(%dma_wait3A_239 : memref<136x128xf32, #tpu.memory_space<hbm>>)
    %dma_start3A_240 = arith.constant 2040 : i32
    %dma_start3A_241 = tpu.memref_slice %arg6[%dma_start3A_240] : memref<3128xi32, #tpu.memory_space<vmem>> -> memref<136xi32, #tpu.memory_space<vmem>>
    %dma_start3A_242 = arith.constant 0 : i32
    %dma_start3A_243 = arith.constant 0 : i32
    %dma_start3A_244 = tpu.memref_slice %arg5[%dma_start3A_242, %dma_start3A_243] : memref<84x128xf32, #tpu.memory_space<vmem_shared>> -> memref<84x128xf32, #tpu.memory_space<vmem_shared>>
    tpu.enqueue_indirect_dma source(%dma_start3A_244 : memref<84x128xf32, #tpu.memory_space<vmem_shared>>) target(%arg10 : memref<136x128xf32, #tpu.memory_space<vmem>>) offsets(%dma_start3A_241 : memref<136xi32, #tpu.memory_space<vmem>>) semaphore(%arg16 : memref<!tpu.dma_semaphore, #tpu.memory_space<semaphore_mem>>)
    %dma_wait3A_245 = arith.constant 1496 : i32
    %dma_wait3A_246 = tpu.memref_slice %arg6[%dma_wait3A_245] : memref<3128xi32, #tpu.memory_space<vmem>> -> memref<136xi32, #tpu.memory_space<vmem>>
    %dma_wait3A_247 = arith.constant 0 : i32
    %dma_wait3A_248 = arith.constant 0 : i32
    %dma_wait3A_249 = tpu.memref_slice %arg5[%dma_wait3A_247, %dma_wait3A_248] : memref<84x128xf32, #tpu.memory_space<vmem_shared>> -> memref<84x128xf32, #tpu.memory_space<vmem_shared>>
    tpu.wait_indirect_dma semaphore(%arg18 : memref<!tpu.dma_semaphore, #tpu.memory_space<semaphore_mem>>) src(%dma_wait3A_249 : memref<84x128xf32, #tpu.memory_space<vmem_shared>>) dst(%arg12 : memref<136x128xf32, #tpu.memory_space<vmem>>)
    %add3A_250 = arith.constant 1496 : i32
    %add3A_251 = arith.addi %min3A_3, %add3A_250 : i32
    %dma_start3A_252 = arith.constant 0 : i32
    %dma_start3A_253 = tpu.memref_slice %arg4[%add3A_251, %dma_start3A_252] : memref<100000x128xf32, #tpu.memory_space<hbm>> -> memref<136x128xf32, #tpu.memory_space<hbm>>
    %dma_start3A_254 = arith.constant 0 : i32
    %dma_start3A_255 = tpu.memref_slice %arg4[%add3A_251, %dma_start3A_254] : memref<100000x128xf32, #tpu.memory_space<hbm>> -> memref<136x128xf32, #tpu.memory_space<hbm>>
    tpu.enqueue_dma source(%arg12 : memref<136x128xf32, #tpu.memory_space<vmem>>) target(%dma_start3A_255 : memref<136x128xf32, #tpu.memory_space<hbm>>) target_semaphore(%arg24 : memref<!tpu.dma_semaphore, #tpu.memory_space<semaphore_mem>>)
    %dma_wait3A_256 = arith.constant 0 : i32
    %dma_wait3A_257 = tpu.memref_slice %arg4[%add3A_231, %dma_wait3A_256] : memref<100000x128xf32, #tpu.memory_space<hbm>> -> memref<136x128xf32, #tpu.memory_space<hbm>>
    %dma_wait3A_258 = arith.constant 0 : i32
    %dma_wait3A_259 = tpu.memref_slice %arg4[%add3A_231, %dma_wait3A_258] : memref<100000x128xf32, #tpu.memory_space<hbm>> -> memref<136x128xf32, #tpu.memory_space<hbm>>
    tpu.wait_dma2 semaphore(%arg23 : memref<!tpu.dma_semaphore, #tpu.memory_space<semaphore_mem>>) src(%arg11 : memref<136x128xf32, #tpu.memory_space<vmem>>) dst(%dma_wait3A_259 : memref<136x128xf32, #tpu.memory_space<hbm>>)
    %dma_start3A_260 = arith.constant 2176 : i32
    %dma_start3A_261 = tpu.memref_slice %arg6[%dma_start3A_260] : memref<3128xi32, #tpu.memory_space<vmem>> -> memref<136xi32, #tpu.memory_space<vmem>>
    %dma_start3A_262 = arith.constant 0 : i32
    %dma_start3A_263 = arith.constant 0 : i32
    %dma_start3A_264 = tpu.memref_slice %arg5[%dma_start3A_262, %dma_start3A_263] : memref<84x128xf32, #tpu.memory_space<vmem_shared>> -> memref<84x128xf32, #tpu.memory_space<vmem_shared>>
    tpu.enqueue_indirect_dma source(%dma_start3A_264 : memref<84x128xf32, #tpu.memory_space<vmem_shared>>) target(%arg11 : memref<136x128xf32, #tpu.memory_space<vmem>>) offsets(%dma_start3A_261 : memref<136xi32, #tpu.memory_space<vmem>>) semaphore(%arg17 : memref<!tpu.dma_semaphore, #tpu.memory_space<semaphore_mem>>)
    %dma_wait3A_265 = arith.constant 1632 : i32
    %dma_wait3A_266 = tpu.memref_slice %arg6[%dma_wait3A_265] : memref<3128xi32, #tpu.memory_space<vmem>> -> memref<136xi32, #tpu.memory_space<vmem>>
    %dma_wait3A_267 = arith.constant 0 : i32
    %dma_wait3A_268 = arith.constant 0 : i32
    %dma_wait3A_269 = tpu.memref_slice %arg5[%dma_wait3A_267, %dma_wait3A_268] : memref<84x128xf32, #tpu.memory_space<vmem_shared>> -> memref<84x128xf32, #tpu.memory_space<vmem_shared>>
    tpu.wait_indirect_dma semaphore(%arg13 : memref<!tpu.dma_semaphore, #tpu.memory_space<semaphore_mem>>) src(%dma_wait3A_269 : memref<84x128xf32, #tpu.memory_space<vmem_shared>>) dst(%arg7 : memref<136x128xf32, #tpu.memory_space<vmem>>)
    %add3A_270 = arith.constant 1632 : i32
    %add3A_271 = arith.addi %min3A_3, %add3A_270 : i32
    %dma_start3A_272 = arith.constant 0 : i32
    %dma_start3A_273 = tpu.memref_slice %arg4[%add3A_271, %dma_start3A_272] : memref<100000x128xf32, #tpu.memory_space<hbm>> -> memref<136x128xf32, #tpu.memory_space<hbm>>
    %dma_start3A_274 = arith.constant 0 : i32
    %dma_start3A_275 = tpu.memref_slice %arg4[%add3A_271, %dma_start3A_274] : memref<100000x128xf32, #tpu.memory_space<hbm>> -> memref<136x128xf32, #tpu.memory_space<hbm>>
    tpu.enqueue_dma source(%arg7 : memref<136x128xf32, #tpu.memory_space<vmem>>) target(%dma_start3A_275 : memref<136x128xf32, #tpu.memory_space<hbm>>) target_semaphore(%arg19 : memref<!tpu.dma_semaphore, #tpu.memory_space<semaphore_mem>>)
    %dma_wait3A_276 = arith.constant 0 : i32
    %dma_wait3A_277 = tpu.memref_slice %arg4[%add3A_251, %dma_wait3A_276] : memref<100000x128xf32, #tpu.memory_space<hbm>> -> memref<136x128xf32, #tpu.memory_space<hbm>>
    %dma_wait3A_278 = arith.constant 0 : i32
    %dma_wait3A_279 = tpu.memref_slice %arg4[%add3A_251, %dma_wait3A_278] : memref<100000x128xf32, #tpu.memory_space<hbm>> -> memref<136x128xf32, #tpu.memory_space<hbm>>
    tpu.wait_dma2 semaphore(%arg24 : memref<!tpu.dma_semaphore, #tpu.memory_space<semaphore_mem>>) src(%arg12 : memref<136x128xf32, #tpu.memory_space<vmem>>) dst(%dma_wait3A_279 : memref<136x128xf32, #tpu.memory_space<hbm>>)
    %dma_start3A_280 = arith.constant 2312 : i32
    %dma_start3A_281 = tpu.memref_slice %arg6[%dma_start3A_280] : memref<3128xi32, #tpu.memory_space<vmem>> -> memref<136xi32, #tpu.memory_space<vmem>>
    %dma_start3A_282 = arith.constant 0 : i32
    %dma_start3A_283 = arith.constant 0 : i32
    %dma_start3A_284 = tpu.memref_slice %arg5[%dma_start3A_282, %dma_start3A_283] : memref<84x128xf32, #tpu.memory_space<vmem_shared>> -> memref<84x128xf32, #tpu.memory_space<vmem_shared>>
    tpu.enqueue_indirect_dma source(%dma_start3A_284 : memref<84x128xf32, #tpu.memory_space<vmem_shared>>) target(%arg12 : memref<136x128xf32, #tpu.memory_space<vmem>>) offsets(%dma_start3A_281 : memref<136xi32, #tpu.memory_space<vmem>>) semaphore(%arg18 : memref<!tpu.dma_semaphore, #tpu.memory_space<semaphore_mem>>)
    %dma_wait3A_285 = arith.constant 1768 : i32
    %dma_wait3A_286 = tpu.memref_slice %arg6[%dma_wait3A_285] : memref<3128xi32, #tpu.memory_space<vmem>> -> memref<136xi32, #tpu.memory_space<vmem>>
    %dma_wait3A_287 = arith.constant 0 : i32
    %dma_wait3A_288 = arith.constant 0 : i32
    %dma_wait3A_289 = tpu.memref_slice %arg5[%dma_wait3A_287, %dma_wait3A_288] : memref<84x128xf32, #tpu.memory_space<vmem_shared>> -> memref<84x128xf32, #tpu.memory_space<vmem_shared>>
    tpu.wait_indirect_dma semaphore(%arg14 : memref<!tpu.dma_semaphore, #tpu.memory_space<semaphore_mem>>) src(%dma_wait3A_289 : memref<84x128xf32, #tpu.memory_space<vmem_shared>>) dst(%arg8 : memref<136x128xf32, #tpu.memory_space<vmem>>)
    %add3A_290 = arith.constant 1768 : i32
    %add3A_291 = arith.addi %min3A_3, %add3A_290 : i32
    %dma_start3A_292 = arith.constant 0 : i32
    %dma_start3A_293 = tpu.memref_slice %arg4[%add3A_291, %dma_start3A_292] : memref<100000x128xf32, #tpu.memory_space<hbm>> -> memref<136x128xf32, #tpu.memory_space<hbm>>
    %dma_start3A_294 = arith.constant 0 : i32
    %dma_start3A_295 = tpu.memref_slice %arg4[%add3A_291, %dma_start3A_294] : memref<100000x128xf32, #tpu.memory_space<hbm>> -> memref<136x128xf32, #tpu.memory_space<hbm>>
    tpu.enqueue_dma source(%arg8 : memref<136x128xf32, #tpu.memory_space<vmem>>) target(%dma_start3A_295 : memref<136x128xf32, #tpu.memory_space<hbm>>) target_semaphore(%arg20 : memref<!tpu.dma_semaphore, #tpu.memory_space<semaphore_mem>>)
    %dma_wait3A_296 = arith.constant 0 : i32
    %dma_wait3A_297 = tpu.memref_slice %arg4[%add3A_271, %dma_wait3A_296] : memref<100000x128xf32, #tpu.memory_space<hbm>> -> memref<136x128xf32, #tpu.memory_space<hbm>>
    %dma_wait3A_298 = arith.constant 0 : i32
    %dma_wait3A_299 = tpu.memref_slice %arg4[%add3A_271, %dma_wait3A_298] : memref<100000x128xf32, #tpu.memory_space<hbm>> -> memref<136x128xf32, #tpu.memory_space<hbm>>
    tpu.wait_dma2 semaphore(%arg19 : memref<!tpu.dma_semaphore, #tpu.memory_space<semaphore_mem>>) src(%arg7 : memref<136x128xf32, #tpu.memory_space<vmem>>) dst(%dma_wait3A_299 : memref<136x128xf32, #tpu.memory_space<hbm>>)
    %dma_start3A_300 = arith.constant 2448 : i32
    %dma_start3A_301 = tpu.memref_slice %arg6[%dma_start3A_300] : memref<3128xi32, #tpu.memory_space<vmem>> -> memref<136xi32, #tpu.memory_space<vmem>>
    %dma_start3A_302 = arith.constant 0 : i32
    %dma_start3A_303 = arith.constant 0 : i32
    %dma_start3A_304 = tpu.memref_slice %arg5[%dma_start3A_302, %dma_start3A_303] : memref<84x128xf32, #tpu.memory_space<vmem_shared>> -> memref<84x128xf32, #tpu.memory_space<vmem_shared>>
    tpu.enqueue_indirect_dma source(%dma_start3A_304 : memref<84x128xf32, #tpu.memory_space<vmem_shared>>) target(%arg7 : memref<136x128xf32, #tpu.memory_space<vmem>>) offsets(%dma_start3A_301 : memref<136xi32, #tpu.memory_space<vmem>>) semaphore(%arg13 : memref<!tpu.dma_semaphore, #tpu.memory_space<semaphore_mem>>)
    %dma_wait3A_305 = arith.constant 1904 : i32
    %dma_wait3A_306 = tpu.memref_slice %arg6[%dma_wait3A_305] : memref<3128xi32, #tpu.memory_space<vmem>> -> memref<136xi32, #tpu.memory_space<vmem>>
    %dma_wait3A_307 = arith.constant 0 : i32
    %dma_wait3A_308 = arith.constant 0 : i32
    %dma_wait3A_309 = tpu.memref_slice %arg5[%dma_wait3A_307, %dma_wait3A_308] : memref<84x128xf32, #tpu.memory_space<vmem_shared>> -> memref<84x128xf32, #tpu.memory_space<vmem_shared>>
    tpu.wait_indirect_dma semaphore(%arg15 : memref<!tpu.dma_semaphore, #tpu.memory_space<semaphore_mem>>) src(%dma_wait3A_309 : memref<84x128xf32, #tpu.memory_space<vmem_shared>>) dst(%arg9 : memref<136x128xf32, #tpu.memory_space<vmem>>)
    %add3A_310 = arith.constant 1904 : i32
    %add3A_311 = arith.addi %min3A_3, %add3A_310 : i32
    %dma_start3A_312 = arith.constant 0 : i32
    %dma_start3A_313 = tpu.memref_slice %arg4[%add3A_311, %dma_start3A_312] : memref<100000x128xf32, #tpu.memory_space<hbm>> -> memref<136x128xf32, #tpu.memory_space<hbm>>
    %dma_start3A_314 = arith.constant 0 : i32
    %dma_start3A_315 = tpu.memref_slice %arg4[%add3A_311, %dma_start3A_314] : memref<100000x128xf32, #tpu.memory_space<hbm>> -> memref<136x128xf32, #tpu.memory_space<hbm>>
    tpu.enqueue_dma source(%arg9 : memref<136x128xf32, #tpu.memory_space<vmem>>) target(%dma_start3A_315 : memref<136x128xf32, #tpu.memory_space<hbm>>) target_semaphore(%arg21 : memref<!tpu.dma_semaphore, #tpu.memory_space<semaphore_mem>>)
    %dma_wait3A_316 = arith.constant 0 : i32
    %dma_wait3A_317 = tpu.memref_slice %arg4[%add3A_291, %dma_wait3A_316] : memref<100000x128xf32, #tpu.memory_space<hbm>> -> memref<136x128xf32, #tpu.memory_space<hbm>>
    %dma_wait3A_318 = arith.constant 0 : i32
    %dma_wait3A_319 = tpu.memref_slice %arg4[%add3A_291, %dma_wait3A_318] : memref<100000x128xf32, #tpu.memory_space<hbm>> -> memref<136x128xf32, #tpu.memory_space<hbm>>
    tpu.wait_dma2 semaphore(%arg20 : memref<!tpu.dma_semaphore, #tpu.memory_space<semaphore_mem>>) src(%arg8 : memref<136x128xf32, #tpu.memory_space<vmem>>) dst(%dma_wait3A_319 : memref<136x128xf32, #tpu.memory_space<hbm>>)
    %dma_start3A_320 = arith.constant 2584 : i32
    %dma_start3A_321 = tpu.memref_slice %arg6[%dma_start3A_320] : memref<3128xi32, #tpu.memory_space<vmem>> -> memref<136xi32, #tpu.memory_space<vmem>>
    %dma_start3A_322 = arith.constant 0 : i32
    %dma_start3A_323 = arith.constant 0 : i32
    %dma_start3A_324 = tpu.memref_slice %arg5[%dma_start3A_322, %dma_start3A_323] : memref<84x128xf32, #tpu.memory_space<vmem_shared>> -> memref<84x128xf32, #tpu.memory_space<vmem_shared>>
    tpu.enqueue_indirect_dma source(%dma_start3A_324 : memref<84x128xf32, #tpu.memory_space<vmem_shared>>) target(%arg8 : memref<136x128xf32, #tpu.memory_space<vmem>>) offsets(%dma_start3A_321 : memref<136xi32, #tpu.memory_space<vmem>>) semaphore(%arg14 : memref<!tpu.dma_semaphore, #tpu.memory_space<semaphore_mem>>)
    %dma_wait3A_325 = arith.constant 2040 : i32
    %dma_wait3A_326 = tpu.memref_slice %arg6[%dma_wait3A_325] : memref<3128xi32, #tpu.memory_space<vmem>> -> memref<136xi32, #tpu.memory_space<vmem>>
    %dma_wait3A_327 = arith.constant 0 : i32
    %dma_wait3A_328 = arith.constant 0 : i32
    %dma_wait3A_329 = tpu.memref_slice %arg5[%dma_wait3A_327, %dma_wait3A_328] : memref<84x128xf32, #tpu.memory_space<vmem_shared>> -> memref<84x128xf32, #tpu.memory_space<vmem_shared>>
    tpu.wait_indirect_dma semaphore(%arg16 : memref<!tpu.dma_semaphore, #tpu.memory_space<semaphore_mem>>) src(%dma_wait3A_329 : memref<84x128xf32, #tpu.memory_space<vmem_shared>>) dst(%arg10 : memref<136x128xf32, #tpu.memory_space<vmem>>)
    %add3A_330 = arith.constant 2040 : i32
    %add3A_331 = arith.addi %min3A_3, %add3A_330 : i32
    %dma_start3A_332 = arith.constant 0 : i32
    %dma_start3A_333 = tpu.memref_slice %arg4[%add3A_331, %dma_start3A_332] : memref<100000x128xf32, #tpu.memory_space<hbm>> -> memref<136x128xf32, #tpu.memory_space<hbm>>
    %dma_start3A_334 = arith.constant 0 : i32
    %dma_start3A_335 = tpu.memref_slice %arg4[%add3A_331, %dma_start3A_334] : memref<100000x128xf32, #tpu.memory_space<hbm>> -> memref<136x128xf32, #tpu.memory_space<hbm>>
    tpu.enqueue_dma source(%arg10 : memref<136x128xf32, #tpu.memory_space<vmem>>) target(%dma_start3A_335 : memref<136x128xf32, #tpu.memory_space<hbm>>) target_semaphore(%arg22 : memref<!tpu.dma_semaphore, #tpu.memory_space<semaphore_mem>>)
    %dma_wait3A_336 = arith.constant 0 : i32
    %dma_wait3A_337 = tpu.memref_slice %arg4[%add3A_311, %dma_wait3A_336] : memref<100000x128xf32, #tpu.memory_space<hbm>> -> memref<136x128xf32, #tpu.memory_space<hbm>>
    %dma_wait3A_338 = arith.constant 0 : i32
    %dma_wait3A_339 = tpu.memref_slice %arg4[%add3A_311, %dma_wait3A_338] : memref<100000x128xf32, #tpu.memory_space<hbm>> -> memref<136x128xf32, #tpu.memory_space<hbm>>
    tpu.wait_dma2 semaphore(%arg21 : memref<!tpu.dma_semaphore, #tpu.memory_space<semaphore_mem>>) src(%arg9 : memref<136x128xf32, #tpu.memory_space<vmem>>) dst(%dma_wait3A_339 : memref<136x128xf32, #tpu.memory_space<hbm>>)
    %dma_start3A_340 = arith.constant 2720 : i32
    %dma_start3A_341 = tpu.memref_slice %arg6[%dma_start3A_340] : memref<3128xi32, #tpu.memory_space<vmem>> -> memref<136xi32, #tpu.memory_space<vmem>>
    %dma_start3A_342 = arith.constant 0 : i32
    %dma_start3A_343 = arith.constant 0 : i32
    %dma_start3A_344 = tpu.memref_slice %arg5[%dma_start3A_342, %dma_start3A_343] : memref<84x128xf32, #tpu.memory_space<vmem_shared>> -> memref<84x128xf32, #tpu.memory_space<vmem_shared>>
    tpu.enqueue_indirect_dma source(%dma_start3A_344 : memref<84x128xf32, #tpu.memory_space<vmem_shared>>) target(%arg9 : memref<136x128xf32, #tpu.memory_space<vmem>>) offsets(%dma_start3A_341 : memref<136xi32, #tpu.memory_space<vmem>>) semaphore(%arg15 : memref<!tpu.dma_semaphore, #tpu.memory_space<semaphore_mem>>)
    %dma_wait3A_345 = arith.constant 2176 : i32
    %dma_wait3A_346 = tpu.memref_slice %arg6[%dma_wait3A_345] : memref<3128xi32, #tpu.memory_space<vmem>> -> memref<136xi32, #tpu.memory_space<vmem>>
    %dma_wait3A_347 = arith.constant 0 : i32
    %dma_wait3A_348 = arith.constant 0 : i32
    %dma_wait3A_349 = tpu.memref_slice %arg5[%dma_wait3A_347, %dma_wait3A_348] : memref<84x128xf32, #tpu.memory_space<vmem_shared>> -> memref<84x128xf32, #tpu.memory_space<vmem_shared>>
    tpu.wait_indirect_dma semaphore(%arg17 : memref<!tpu.dma_semaphore, #tpu.memory_space<semaphore_mem>>) src(%dma_wait3A_349 : memref<84x128xf32, #tpu.memory_space<vmem_shared>>) dst(%arg11 : memref<136x128xf32, #tpu.memory_space<vmem>>)
    %add3A_350 = arith.constant 2176 : i32
    %add3A_351 = arith.addi %min3A_3, %add3A_350 : i32
    %dma_start3A_352 = arith.constant 0 : i32
    %dma_start3A_353 = tpu.memref_slice %arg4[%add3A_351, %dma_start3A_352] : memref<100000x128xf32, #tpu.memory_space<hbm>> -> memref<136x128xf32, #tpu.memory_space<hbm>>
    %dma_start3A_354 = arith.constant 0 : i32
    %dma_start3A_355 = tpu.memref_slice %arg4[%add3A_351, %dma_start3A_354] : memref<100000x128xf32, #tpu.memory_space<hbm>> -> memref<136x128xf32, #tpu.memory_space<hbm>>
    tpu.enqueue_dma source(%arg11 : memref<136x128xf32, #tpu.memory_space<vmem>>) target(%dma_start3A_355 : memref<136x128xf32, #tpu.memory_space<hbm>>) target_semaphore(%arg23 : memref<!tpu.dma_semaphore, #tpu.memory_space<semaphore_mem>>)
    %dma_wait3A_356 = arith.constant 0 : i32
    %dma_wait3A_357 = tpu.memref_slice %arg4[%add3A_331, %dma_wait3A_356] : memref<100000x128xf32, #tpu.memory_space<hbm>> -> memref<136x128xf32, #tpu.memory_space<hbm>>
    %dma_wait3A_358 = arith.constant 0 : i32
    %dma_wait3A_359 = tpu.memref_slice %arg4[%add3A_331, %dma_wait3A_358] : memref<100000x128xf32, #tpu.memory_space<hbm>> -> memref<136x128xf32, #tpu.memory_space<hbm>>
    tpu.wait_dma2 semaphore(%arg22 : memref<!tpu.dma_semaphore, #tpu.memory_space<semaphore_mem>>) src(%arg10 : memref<136x128xf32, #tpu.memory_space<vmem>>) dst(%dma_wait3A_359 : memref<136x128xf32, #tpu.memory_space<hbm>>)
    %dma_start3A_360 = arith.constant 2856 : i32
    %dma_start3A_361 = tpu.memref_slice %arg6[%dma_start3A_360] : memref<3128xi32, #tpu.memory_space<vmem>> -> memref<136xi32, #tpu.memory_space<vmem>>
    %dma_start3A_362 = arith.constant 0 : i32
    %dma_start3A_363 = arith.constant 0 : i32
    %dma_start3A_364 = tpu.memref_slice %arg5[%dma_start3A_362, %dma_start3A_363] : memref<84x128xf32, #tpu.memory_space<vmem_shared>> -> memref<84x128xf32, #tpu.memory_space<vmem_shared>>
    tpu.enqueue_indirect_dma source(%dma_start3A_364 : memref<84x128xf32, #tpu.memory_space<vmem_shared>>) target(%arg10 : memref<136x128xf32, #tpu.memory_space<vmem>>) offsets(%dma_start3A_361 : memref<136xi32, #tpu.memory_space<vmem>>) semaphore(%arg16 : memref<!tpu.dma_semaphore, #tpu.memory_space<semaphore_mem>>)
    %dma_wait3A_365 = arith.constant 2312 : i32
    %dma_wait3A_366 = tpu.memref_slice %arg6[%dma_wait3A_365] : memref<3128xi32, #tpu.memory_space<vmem>> -> memref<136xi32, #tpu.memory_space<vmem>>
    %dma_wait3A_367 = arith.constant 0 : i32
    %dma_wait3A_368 = arith.constant 0 : i32
    %dma_wait3A_369 = tpu.memref_slice %arg5[%dma_wait3A_367, %dma_wait3A_368] : memref<84x128xf32, #tpu.memory_space<vmem_shared>> -> memref<84x128xf32, #tpu.memory_space<vmem_shared>>
    tpu.wait_indirect_dma semaphore(%arg18 : memref<!tpu.dma_semaphore, #tpu.memory_space<semaphore_mem>>) src(%dma_wait3A_369 : memref<84x128xf32, #tpu.memory_space<vmem_shared>>) dst(%arg12 : memref<136x128xf32, #tpu.memory_space<vmem>>)
    %add3A_370 = arith.constant 2312 : i32
    %add3A_371 = arith.addi %min3A_3, %add3A_370 : i32
    %dma_start3A_372 = arith.constant 0 : i32
    %dma_start3A_373 = tpu.memref_slice %arg4[%add3A_371, %dma_start3A_372] : memref<100000x128xf32, #tpu.memory_space<hbm>> -> memref<136x128xf32, #tpu.memory_space<hbm>>
    %dma_start3A_374 = arith.constant 0 : i32
    %dma_start3A_375 = tpu.memref_slice %arg4[%add3A_371, %dma_start3A_374] : memref<100000x128xf32, #tpu.memory_space<hbm>> -> memref<136x128xf32, #tpu.memory_space<hbm>>
    tpu.enqueue_dma source(%arg12 : memref<136x128xf32, #tpu.memory_space<vmem>>) target(%dma_start3A_375 : memref<136x128xf32, #tpu.memory_space<hbm>>) target_semaphore(%arg24 : memref<!tpu.dma_semaphore, #tpu.memory_space<semaphore_mem>>)
    %dma_wait3A_376 = arith.constant 0 : i32
    %dma_wait3A_377 = tpu.memref_slice %arg4[%add3A_351, %dma_wait3A_376] : memref<100000x128xf32, #tpu.memory_space<hbm>> -> memref<136x128xf32, #tpu.memory_space<hbm>>
    %dma_wait3A_378 = arith.constant 0 : i32
    %dma_wait3A_379 = tpu.memref_slice %arg4[%add3A_351, %dma_wait3A_378] : memref<100000x128xf32, #tpu.memory_space<hbm>> -> memref<136x128xf32, #tpu.memory_space<hbm>>
    tpu.wait_dma2 semaphore(%arg23 : memref<!tpu.dma_semaphore, #tpu.memory_space<semaphore_mem>>) src(%arg11 : memref<136x128xf32, #tpu.memory_space<vmem>>) dst(%dma_wait3A_379 : memref<136x128xf32, #tpu.memory_space<hbm>>)
    %dma_start3A_380 = arith.constant 2992 : i32
    %dma_start3A_381 = tpu.memref_slice %arg6[%dma_start3A_380] : memref<3128xi32, #tpu.memory_space<vmem>> -> memref<136xi32, #tpu.memory_space<vmem>>
    %dma_start3A_382 = arith.constant 0 : i32
    %dma_start3A_383 = arith.constant 0 : i32
    %dma_start3A_384 = tpu.memref_slice %arg5[%dma_start3A_382, %dma_start3A_383] : memref<84x128xf32, #tpu.memory_space<vmem_shared>> -> memref<84x128xf32, #tpu.memory_space<vmem_shared>>
    tpu.enqueue_indirect_dma source(%dma_start3A_384 : memref<84x128xf32, #tpu.memory_space<vmem_shared>>) target(%arg11 : memref<136x128xf32, #tpu.memory_space<vmem>>) offsets(%dma_start3A_381 : memref<136xi32, #tpu.memory_space<vmem>>) semaphore(%arg17 : memref<!tpu.dma_semaphore, #tpu.memory_space<semaphore_mem>>)
    %dma_wait3A_385 = arith.constant 2448 : i32
    %dma_wait3A_386 = tpu.memref_slice %arg6[%dma_wait3A_385] : memref<3128xi32, #tpu.memory_space<vmem>> -> memref<136xi32, #tpu.memory_space<vmem>>
    %dma_wait3A_387 = arith.constant 0 : i32
    %dma_wait3A_388 = arith.constant 0 : i32
    %dma_wait3A_389 = tpu.memref_slice %arg5[%dma_wait3A_387, %dma_wait3A_388] : memref<84x128xf32, #tpu.memory_space<vmem_shared>> -> memref<84x128xf32, #tpu.memory_space<vmem_shared>>
    tpu.wait_indirect_dma semaphore(%arg13 : memref<!tpu.dma_semaphore, #tpu.memory_space<semaphore_mem>>) src(%dma_wait3A_389 : memref<84x128xf32, #tpu.memory_space<vmem_shared>>) dst(%arg7 : memref<136x128xf32, #tpu.memory_space<vmem>>)
    %add3A_390 = arith.constant 2448 : i32
    %add3A_391 = arith.addi %min3A_3, %add3A_390 : i32
    %dma_start3A_392 = arith.constant 0 : i32
    %dma_start3A_393 = tpu.memref_slice %arg4[%add3A_391, %dma_start3A_392] : memref<100000x128xf32, #tpu.memory_space<hbm>> -> memref<136x128xf32, #tpu.memory_space<hbm>>
    %dma_start3A_394 = arith.constant 0 : i32
    %dma_start3A_395 = tpu.memref_slice %arg4[%add3A_391, %dma_start3A_394] : memref<100000x128xf32, #tpu.memory_space<hbm>> -> memref<136x128xf32, #tpu.memory_space<hbm>>
    tpu.enqueue_dma source(%arg7 : memref<136x128xf32, #tpu.memory_space<vmem>>) target(%dma_start3A_395 : memref<136x128xf32, #tpu.memory_space<hbm>>) target_semaphore(%arg19 : memref<!tpu.dma_semaphore, #tpu.memory_space<semaphore_mem>>)
    %dma_wait3A_396 = arith.constant 2584 : i32
    %dma_wait3A_397 = tpu.memref_slice %arg6[%dma_wait3A_396] : memref<3128xi32, #tpu.memory_space<vmem>> -> memref<136xi32, #tpu.memory_space<vmem>>
    %dma_wait3A_398 = arith.constant 0 : i32
    %dma_wait3A_399 = arith.constant 0 : i32
    %dma_wait3A_400 = tpu.memref_slice %arg5[%dma_wait3A_398, %dma_wait3A_399] : memref<84x128xf32, #tpu.memory_space<vmem_shared>> -> memref<84x128xf32, #tpu.memory_space<vmem_shared>>
    tpu.wait_indirect_dma semaphore(%arg14 : memref<!tpu.dma_semaphore, #tpu.memory_space<semaphore_mem>>) src(%dma_wait3A_400 : memref<84x128xf32, #tpu.memory_space<vmem_shared>>) dst(%arg8 : memref<136x128xf32, #tpu.memory_space<vmem>>)
    %add3A_401 = arith.constant 2584 : i32
    %add3A_402 = arith.addi %min3A_3, %add3A_401 : i32
    %dma_start3A_403 = arith.constant 0 : i32
    %dma_start3A_404 = tpu.memref_slice %arg4[%add3A_402, %dma_start3A_403] : memref<100000x128xf32, #tpu.memory_space<hbm>> -> memref<136x128xf32, #tpu.memory_space<hbm>>
    %dma_start3A_405 = arith.constant 0 : i32
    %dma_start3A_406 = tpu.memref_slice %arg4[%add3A_402, %dma_start3A_405] : memref<100000x128xf32, #tpu.memory_space<hbm>> -> memref<136x128xf32, #tpu.memory_space<hbm>>
    tpu.enqueue_dma source(%arg8 : memref<136x128xf32, #tpu.memory_space<vmem>>) target(%dma_start3A_406 : memref<136x128xf32, #tpu.memory_space<hbm>>) target_semaphore(%arg20 : memref<!tpu.dma_semaphore, #tpu.memory_space<semaphore_mem>>)
    %dma_wait3A_407 = arith.constant 2720 : i32
    %dma_wait3A_408 = tpu.memref_slice %arg6[%dma_wait3A_407] : memref<3128xi32, #tpu.memory_space<vmem>> -> memref<136xi32, #tpu.memory_space<vmem>>
    %dma_wait3A_409 = arith.constant 0 : i32
    %dma_wait3A_410 = arith.constant 0 : i32
    %dma_wait3A_411 = tpu.memref_slice %arg5[%dma_wait3A_409, %dma_wait3A_410] : memref<84x128xf32, #tpu.memory_space<vmem_shared>> -> memref<84x128xf32, #tpu.memory_space<vmem_shared>>
    tpu.wait_indirect_dma semaphore(%arg15 : memref<!tpu.dma_semaphore, #tpu.memory_space<semaphore_mem>>) src(%dma_wait3A_411 : memref<84x128xf32, #tpu.memory_space<vmem_shared>>) dst(%arg9 : memref<136x128xf32, #tpu.memory_space<vmem>>)
    %add3A_412 = arith.constant 2720 : i32
    %add3A_413 = arith.addi %min3A_3, %add3A_412 : i32
    %dma_start3A_414 = arith.constant 0 : i32
    %dma_start3A_415 = tpu.memref_slice %arg4[%add3A_413, %dma_start3A_414] : memref<100000x128xf32, #tpu.memory_space<hbm>> -> memref<136x128xf32, #tpu.memory_space<hbm>>
    %dma_start3A_416 = arith.constant 0 : i32
    %dma_start3A_417 = tpu.memref_slice %arg4[%add3A_413, %dma_start3A_416] : memref<100000x128xf32, #tpu.memory_space<hbm>> -> memref<136x128xf32, #tpu.memory_space<hbm>>
    tpu.enqueue_dma source(%arg9 : memref<136x128xf32, #tpu.memory_space<vmem>>) target(%dma_start3A_417 : memref<136x128xf32, #tpu.memory_space<hbm>>) target_semaphore(%arg21 : memref<!tpu.dma_semaphore, #tpu.memory_space<semaphore_mem>>)
    %dma_wait3A_418 = arith.constant 2856 : i32
    %dma_wait3A_419 = tpu.memref_slice %arg6[%dma_wait3A_418] : memref<3128xi32, #tpu.memory_space<vmem>> -> memref<136xi32, #tpu.memory_space<vmem>>
    %dma_wait3A_420 = arith.constant 0 : i32
    %dma_wait3A_421 = arith.constant 0 : i32
    %dma_wait3A_422 = tpu.memref_slice %arg5[%dma_wait3A_420, %dma_wait3A_421] : memref<84x128xf32, #tpu.memory_space<vmem_shared>> -> memref<84x128xf32, #tpu.memory_space<vmem_shared>>
    tpu.wait_indirect_dma semaphore(%arg16 : memref<!tpu.dma_semaphore, #tpu.memory_space<semaphore_mem>>) src(%dma_wait3A_422 : memref<84x128xf32, #tpu.memory_space<vmem_shared>>) dst(%arg10 : memref<136x128xf32, #tpu.memory_space<vmem>>)
    %add3A_423 = arith.constant 2856 : i32
    %add3A_424 = arith.addi %min3A_3, %add3A_423 : i32
    %dma_start3A_425 = arith.constant 0 : i32
    %dma_start3A_426 = tpu.memref_slice %arg4[%add3A_424, %dma_start3A_425] : memref<100000x128xf32, #tpu.memory_space<hbm>> -> memref<136x128xf32, #tpu.memory_space<hbm>>
    %dma_start3A_427 = arith.constant 0 : i32
    %dma_start3A_428 = tpu.memref_slice %arg4[%add3A_424, %dma_start3A_427] : memref<100000x128xf32, #tpu.memory_space<hbm>> -> memref<136x128xf32, #tpu.memory_space<hbm>>
    tpu.enqueue_dma source(%arg10 : memref<136x128xf32, #tpu.memory_space<vmem>>) target(%dma_start3A_428 : memref<136x128xf32, #tpu.memory_space<hbm>>) target_semaphore(%arg22 : memref<!tpu.dma_semaphore, #tpu.memory_space<semaphore_mem>>)
    %dma_wait3A_429 = arith.constant 2992 : i32
    %dma_wait3A_430 = tpu.memref_slice %arg6[%dma_wait3A_429] : memref<3128xi32, #tpu.memory_space<vmem>> -> memref<136xi32, #tpu.memory_space<vmem>>
    %dma_wait3A_431 = arith.constant 0 : i32
    %dma_wait3A_432 = arith.constant 0 : i32
    %dma_wait3A_433 = tpu.memref_slice %arg5[%dma_wait3A_431, %dma_wait3A_432] : memref<84x128xf32, #tpu.memory_space<vmem_shared>> -> memref<84x128xf32, #tpu.memory_space<vmem_shared>>
    tpu.wait_indirect_dma semaphore(%arg17 : memref<!tpu.dma_semaphore, #tpu.memory_space<semaphore_mem>>) src(%dma_wait3A_433 : memref<84x128xf32, #tpu.memory_space<vmem_shared>>) dst(%arg11 : memref<136x128xf32, #tpu.memory_space<vmem>>)
    %add3A_434 = arith.constant 2992 : i32
    %add3A_435 = arith.addi %min3A_3, %add3A_434 : i32
    %dma_start3A_436 = arith.constant 0 : i32
    %dma_start3A_437 = tpu.memref_slice %arg4[%add3A_435, %dma_start3A_436] : memref<100000x128xf32, #tpu.memory_space<hbm>> -> memref<136x128xf32, #tpu.memory_space<hbm>>
    %dma_start3A_438 = arith.constant 0 : i32
    %dma_start3A_439 = tpu.memref_slice %arg4[%add3A_435, %dma_start3A_438] : memref<100000x128xf32, #tpu.memory_space<hbm>> -> memref<136x128xf32, #tpu.memory_space<hbm>>
    tpu.enqueue_dma source(%arg11 : memref<136x128xf32, #tpu.memory_space<vmem>>) target(%dma_start3A_439 : memref<136x128xf32, #tpu.memory_space<hbm>>) target_semaphore(%arg23 : memref<!tpu.dma_semaphore, #tpu.memory_space<semaphore_mem>>)
    %dma_wait3A_440 = arith.constant 0 : i32
    %dma_wait3A_441 = tpu.memref_slice %arg4[%add3A_391, %dma_wait3A_440] : memref<100000x128xf32, #tpu.memory_space<hbm>> -> memref<136x128xf32, #tpu.memory_space<hbm>>
    %dma_wait3A_442 = arith.constant 0 : i32
    %dma_wait3A_443 = tpu.memref_slice %arg4[%add3A_391, %dma_wait3A_442] : memref<100000x128xf32, #tpu.memory_space<hbm>> -> memref<136x128xf32, #tpu.memory_space<hbm>>
    tpu.wait_dma2 semaphore(%arg19 : memref<!tpu.dma_semaphore, #tpu.memory_space<semaphore_mem>>) src(%arg7 : memref<136x128xf32, #tpu.memory_space<vmem>>) dst(%dma_wait3A_443 : memref<136x128xf32, #tpu.memory_space<hbm>>)
    %dma_wait3A_444 = arith.constant 0 : i32
    %dma_wait3A_445 = tpu.memref_slice %arg4[%add3A_402, %dma_wait3A_444] : memref<100000x128xf32, #tpu.memory_space<hbm>> -> memref<136x128xf32, #tpu.memory_space<hbm>>
    %dma_wait3A_446 = arith.constant 0 : i32
    %dma_wait3A_447 = tpu.memref_slice %arg4[%add3A_402, %dma_wait3A_446] : memref<100000x128xf32, #tpu.memory_space<hbm>> -> memref<136x128xf32, #tpu.memory_space<hbm>>
    tpu.wait_dma2 semaphore(%arg20 : memref<!tpu.dma_semaphore, #tpu.memory_space<semaphore_mem>>) src(%arg8 : memref<136x128xf32, #tpu.memory_space<vmem>>) dst(%dma_wait3A_447 : memref<136x128xf32, #tpu.memory_space<hbm>>)
    %dma_wait3A_448 = arith.constant 0 : i32
    %dma_wait3A_449 = tpu.memref_slice %arg4[%add3A_413, %dma_wait3A_448] : memref<100000x128xf32, #tpu.memory_space<hbm>> -> memref<136x128xf32, #tpu.memory_space<hbm>>
    %dma_wait3A_450 = arith.constant 0 : i32
    %dma_wait3A_451 = tpu.memref_slice %arg4[%add3A_413, %dma_wait3A_450] : memref<100000x128xf32, #tpu.memory_space<hbm>> -> memref<136x128xf32, #tpu.memory_space<hbm>>
    tpu.wait_dma2 semaphore(%arg21 : memref<!tpu.dma_semaphore, #tpu.memory_space<semaphore_mem>>) src(%arg9 : memref<136x128xf32, #tpu.memory_space<vmem>>) dst(%dma_wait3A_451 : memref<136x128xf32, #tpu.memory_space<hbm>>)
    %dma_wait3A_452 = arith.constant 0 : i32
    %dma_wait3A_453 = tpu.memref_slice %arg4[%add3A_424, %dma_wait3A_452] : memref<100000x128xf32, #tpu.memory_space<hbm>> -> memref<136x128xf32, #tpu.memory_space<hbm>>
    %dma_wait3A_454 = arith.constant 0 : i32
    %dma_wait3A_455 = tpu.memref_slice %arg4[%add3A_424, %dma_wait3A_454] : memref<100000x128xf32, #tpu.memory_space<hbm>> -> memref<136x128xf32, #tpu.memory_space<hbm>>
    tpu.wait_dma2 semaphore(%arg22 : memref<!tpu.dma_semaphore, #tpu.memory_space<semaphore_mem>>) src(%arg10 : memref<136x128xf32, #tpu.memory_space<vmem>>) dst(%dma_wait3A_455 : memref<136x128xf32, #tpu.memory_space<hbm>>)
    %dma_wait3A_456 = arith.constant 0 : i32
    %dma_wait3A_457 = tpu.memref_slice %arg4[%add3A_435, %dma_wait3A_456] : memref<100000x128xf32, #tpu.memory_space<hbm>> -> memref<136x128xf32, #tpu.memory_space<hbm>>
    %dma_wait3A_458 = arith.constant 0 : i32
    %dma_wait3A_459 = tpu.memref_slice %arg4[%add3A_435, %dma_wait3A_458] : memref<100000x128xf32, #tpu.memory_space<hbm>> -> memref<136x128xf32, #tpu.memory_space<hbm>>
    tpu.wait_dma2 semaphore(%arg23 : memref<!tpu.dma_semaphore, #tpu.memory_space<semaphore_mem>>) src(%arg11 : memref<136x128xf32, #tpu.memory_space<vmem>>) dst(%dma_wait3A_459 : memref<136x128xf32, #tpu.memory_space<hbm>>)
    %dma_wait3A_460 = arith.constant 0 : i32
    %dma_wait3A_461 = tpu.memref_slice %arg4[%add3A_371, %dma_wait3A_460] : memref<100000x128xf32, #tpu.memory_space<hbm>> -> memref<136x128xf32, #tpu.memory_space<hbm>>
    %dma_wait3A_462 = arith.constant 0 : i32
    %dma_wait3A_463 = tpu.memref_slice %arg4[%add3A_371, %dma_wait3A_462] : memref<100000x128xf32, #tpu.memory_space<hbm>> -> memref<136x128xf32, #tpu.memory_space<hbm>>
    tpu.wait_dma2 semaphore(%arg24 : memref<!tpu.dma_semaphore, #tpu.memory_space<semaphore_mem>>) src(%arg12 : memref<136x128xf32, #tpu.memory_space<vmem>>) dst(%dma_wait3A_463 : memref<136x128xf32, #tpu.memory_space<hbm>>)
    return
  }
}

</mosaic_0001>

<sc_bundles>
// kernel: kernel.3.cloned.1.call-start
scs
__scs_entry_jumppad:
0x0: {  	(pc) =	sbr.rel $0x88, $3  }
0x1: {  	(tag) =	ssettag $0x0;
	lr =	simm.s32 $0x1  }
0x2: {  	[smem:$0x3F9F] =	sst lr;
	_ =	strace $0xD0000000  }
0x3: {  	_ = 	snop  }
0x4: {  	_ = 	snop  }
0x5: {  	_ = 	snop  }
0x6: {  	_ = 	snop  }
0x7: {  	_ = 	snop  }
__scs_overlays_trampoline_lowered:
0x8: {  	[smem:$0x3FAE] =	sst s0  }
0x9: {  	[smem:$0x3FAF] =	sst s1  }
0xa: {  	[smem:$0x3FB0] =	sst s2  }
0xb: {  	[smem:$0x3FB1] =	sst s3  }
0xc: {  	[smem:$0x3FB2] =	sst s4  }
0xd: {  	[smem:$0x3FB3] =	sst s5  }
0xe: {  	[smem:$0x3FB4] =	sst s6  }
0xf: {  	[smem:$0x3FB5] =	sst s7  }
0x10: {  	[smem:$0x3FB6] =	sst s8  }
0x11: {  	[smem:$0x3FB7] =	sst s9;
	s0 =	simm.s32 @!p0 $0x0  }
0x12: {  	s1 =	sld [smem:$0x3F9D];
	s0 =	simm.s32 @p0 $0x1  }
0x13: {  	[smem:$0x3FB8] =	sst s0;
	s0 =	simm.s32 @!p1 $0x0  }
0x14: {  	s2 =	sld [smem:$0x3F9C];
	s0 =	simm.s32 @p1 $0x1  }
0x15: {  	[smem:$0x3FB9] =	sst s0;
	s0 =	simm.s32 @!p2 $0x0  }
0x16: {  	s3 =	sld [smem:$0x3FDB];
	s0 =	simm.s32 @p2 $0x1  }
0x17: {  	s4 =	simm.s32 $0x1BF5;
	[smem:$0x3FBB] =	sst s0  }
0x18: {  	s0 =	sld [smem:$0x3F9E];
	_ =	swait.ge [sflag:s4], $0x0  }
0x19: {  	s7 =	sld [smem:$0x3F9F]  }
0x1a: {  	s8 =	sadd.s32 $0xFFFFE003, lr  }
0x1b: {  	s9 =	sadd.s32 $0xFFFFFEF7, lr;
	s5 =	simm.s32 $0xFFFFFFFF;
	p2 =	slt.u32 s8, $0xFFFFF086  }
0x1c: {  	p1 =	slt.u32 s9, $0xF7A;
	s5 =	simm.s32 @!p2 $0x0  }
0x1d: {  	s5 =	simm.s32 @p1 $0x1;
	p0 =	seq.s32 s7, s2  }
0x1e: {  	s7 =	smul.u32 @!p0 $0xF7A, s2;
	p2 =	seq.s32 @!p0 s5, $0x0  }
0x1f: {  	s9 =	smul.u32 $0xF7A, s1;
	s8 =	simm.s32 @!p0 $0x1BF5;
	p2 =	por !p2, p0  }
0x20: {  	[sflag:s8] =	ssyncset.s32 @!p0 $0xFFFFF086;
	s6 =	sadd.s32 @!p0 s3, s7;
	s7 =	simm.s32 @!p0 $0x108  }
0x21: {  	s3 =	sadd.s32 s3, s9;
	s6 =	sadd.s32 @!p0 $0x88, s6;
	s7 =	simm.s32 @p2 $0x1082  }
0x22: {  	[simem:s7], [sflag:s8] =	dma.local @!p0 [hbm:s6], $0xF7A  }
0x23: {  	s9 =	sor.u32 $0xD0000000, s2;
	s6 =	simm.s32 $0x108;
	_ =	swait.ge @!p0 [sflag:s8], $0x0  }
0x24: {  	s3 =	sadd.s32 $0x88, s3;
	s6 =	simm.s32 @!p1 $0x1082;
	[sflag:s4] =	ssyncset.s32 $0xFFFFF086  }
0x25: {  	[simem:s6], [sflag:s4] =	dma.local [hbm:s3], $0xF7A  }
0x26: {  	[smem:$0x3F9F] =	sst s1;
	(tag) =	ssettag s2;
	_ =	strace s9  }
0x27: {  	s1 =	sld [smem:$0x3FAF]  }
0x28: {  	s2 =	sld [smem:$0x3FB0]  }
0x29: {  	s4 =	sld [smem:$0x3FB2]  }
0x2a: {  	p0 =	seq.s32 s5, $0x0;
	s5 =	sld [smem:$0x3FB3]  }
0x2b: {  	s6 =	sld [smem:$0x3FB4]  }
0x2c: {  	s7 =	sld [smem:$0x3FB5]  }
0x2d: {  	s3 =	simm.s32 $0x108;
	s8 =	sld [smem:$0x3FB6]  }
0x2e: {  	s3 =	simm.s32 @!p0 $0x1082;
	s9 =	sld [smem:$0x3FB7]  }
0x2f: {  	lr =	sadd.s32 s0, s3;
	s0 =	sld [smem:$0x3FAE]  }
0x30: {  	s3 =	sld [smem:$0x3FB1]  }
0x31: {  	[smem:$0x3FBA] =	sst s10  }
0x32: {  	s10 =	sld [smem:$0x3FB8];
	_ =	sdelay $0x3  }
0x33: {  	p0 =	seq.s32 s10, $0x1;
	s10 =	sld [smem:$0x3FBA];
	_ =	sdelay $0x3  }
0x34: {  	[smem:$0x3FBA] =	sst s10  }
0x35: {  	s10 =	sld [smem:$0x3FB9];
	_ =	sdelay $0x3  }
0x36: {  	p1 =	seq.s32 s10, $0x1;
	s10 =	sld [smem:$0x3FBA];
	_ =	sdelay $0x3  }
0x37: {  	[smem:$0x3FBA] =	sst s10  }
0x38: {  	s10 =	sld [smem:$0x3FBB]  }
0x39: {  	_ = 	snop;
	(pc) =	sbr.ind lr, $3  }
0x3a: {  	_ = 	snop  }
0x3b: {  	_ = 	snop  }
0x3c: {  	p2 =	seq.s32 s10, $0x1;
	s10 =	sld [smem:$0x3FBA]  }
0x3d: {  	_ =	shalt  }
0x3e: {  	_ =	shalt  }
0x3f: {  	_ =	shalt  }
0x40: {  	_ =	shalt  }
0x41: {  	_ =	shalt  }
0x42: {  	_ =	shalt  }
0x43: {  	_ =	shalt  }
0x44: {  	_ =	shalt  }
0x45: {  	_ =	shalt  }
0x46: {  	_ =	shalt  }
0x47: {  	_ =	shalt  }
0x48: {  	_ =	shalt  }
0x49: {  	_ =	shalt  }
0x4a: {  	_ =	shalt  }
0x4b: {  	_ =	shalt  }
0x4c: {  	_ =	shalt  }
0x4d: {  	_ =	shalt  }
0x4e: {  	_ =	shalt  }
0x4f: {  	_ =	shalt  }
0x50: {  	_ =	shalt  }
0x51: {  	_ =	shalt  }
0x52: {  	_ =	shalt  }
0x53: {  	_ =	shalt  }
0x54: {  	_ =	shalt  }
0x55: {  	_ =	shalt  }
0x56: {  	_ =	shalt  }
0x57: {  	_ =	shalt  }
0x58: {  	_ =	shalt  }
0x59: {  	_ =	shalt  }
0x5a: {  	_ =	shalt  }
0x5b: {  	_ =	shalt  }
0x5c: {  	_ =	shalt  }
0x5d: {  	_ =	shalt  }
0x5e: {  	_ =	shalt  }
0x5f: {  	_ =	shalt  }
0x60: {  	_ =	shalt  }
0x61: {  	_ =	shalt  }
0x62: {  	_ =	shalt  }
0x63: {  	_ =	shalt  }
0x64: {  	_ =	shalt  }
0x65: {  	_ =	shalt  }
0x66: {  	_ =	shalt  }
0x67: {  	_ =	shalt  }
0x68: {  	_ =	shalt  }
0x69: {  	_ =	shalt  }
0x6a: {  	_ =	shalt  }
0x6b: {  	_ =	shalt  }
0x6c: {  	_ =	shalt  }
0x6d: {  	_ =	shalt  }
0x6e: {  	_ =	shalt  }
0x6f: {  	_ =	shalt  }
0x70: {  	_ =	shalt  }
0x71: {  	_ =	shalt  }
0x72: {  	_ =	shalt  }
0x73: {  	_ =	shalt  }
0x74: {  	_ =	shalt  }
0x75: {  	_ =	shalt  }
0x76: {  	_ =	shalt  }
0x77: {  	_ =	shalt  }
0x78: {  	_ =	shalt  }
0x79: {  	_ =	shalt  }
0x7a: {  	_ =	shalt  }
0x7b: {  	_ =	shalt  }
0x7c: {  	_ =	shalt  }
0x7d: {  	_ =	shalt  }
0x7e: {  	_ =	shalt  }
0x7f: {  	_ =	shalt  }
0x80: {  	_ =	shalt  }
0x81: {  	_ =	shalt  }
0x82: {  	_ =	shalt  }
0x83: {  	_ =	shalt  }
0x84: {  	_ =	shalt  }
0x85: {  	_ =	shalt  }
0x86: {  	_ =	shalt  }
0x87: {  	_ =	shalt  }
.Lfunc_end0:
.L_simem_size_0:
called_computation_lowered:
.L_overlay_start_0:
0x88: {  	s2 =	sld [smem:$0x3FD9]  }
0x89: {  	s3 =	sld [smem:$0x3FFE];
	_ =	sdelay $0x1  }
0x8a: {  	s1 =	srdreg.scid  }
0x8b: {  	s0 =	sand.u32 $0x1, s1  }
0x8c: {  	s18 =	sshll.u32 s0, $0xA;
	s2 =	sadd.s32 s3, s2  }
0x8d: {  	s2 =	sadd.s32 s2, s18  }
0x8e: {  	[smem:$0x3FC6] =	sst s2  }
0x8f: {  	_ = 	snop  }
0x90: {  	s2 =	sld [smem:$0x3FC9]  }
0x91: {  	s19 =	sld [smem:$0x3FC8]  }
0x92: {  	s4 =	sld [smem:$0x3FD0];
	(tm) =	ssettm $0x1  }
0x93: {  	s5 =	sld [smem:$0x3FFB];
	_ =	sdelay $0x3  }
0x94: {  	_ =	strace s5  }
0x95: {  	s5 =	sld [smem:$0x3FFC];
	_ =	sdelay $0x3  }
0x96: {  	_ =	strace s5  }
0x97: {  	s5 =	sld [smem:$0x3FFD];
	_ =	sdelay $0x3  }
0x98: {  	_ =	strace s5  }
0x99: {  	_ =	strace $0x8FFFFFFF  }
0x9a: {  	s20 =	sld [smem:$0x3FDB];
	_ =	sdelay $0x1  }
0x9b: {  	s6 =	simm.s32 $_scs_section_size  }
0x9c: {  	s7 =	simm.s32 $_size__tile_overlayer_lowered;
	s8 =	simm.s32 $_tile_overlayer_lowered  }
0x9d: {  	s23 =	simm.s32 $0x1BFF;
	s22 =	sshll.u32 s8, $0x1;
	s5 =	sadd.s32 s6, s20  }
0x9e: {  	s9 =	simm.s32 $0x0;
	s21 =	sshll.u32 s7, $0x1;
	s7 =	sadd.s32 s22, s5  }
0x9f: {  	[timem:s9], [sflag:s23] =	dma.local [hbm:s7], s21  }
0xa0: {  	_ =	swait.ge [sflag:s23], s21  }
0xa1: {  	s6 =	ssub.s32 $0x0, s21;
	[sflag:s23] =	ssyncset.done $0x0  }
0xa2: {  	[sflag:s23] =	ssyncadd.s32 s6;
	_ =	sdelay $0x1  }
0xa3: {  	s24 =	simm.s32 $0x1B8B  }
0xa4: {  	_ =	swait.ge [sflag:s24], $0x1  }
0xa5: {  	[sflag:s24] =	ssyncset.done $0x0  }
0xa6: {  	s25 =	simm.s32 $0x1B8E;
	[sflag:s24] =	ssyncadd.s32 $0xFFFFFFFF  }
0xa7: {  	s26 =	simm.s32 $execute0_lowered;
	[smem:$0x3FD2] =	sst s25  }
0xa8: {  	s6 =	sshll.u32 s26, $0x1;
	_ =	strace $0x80000046;
	[dreg:$0x1] =	wrdreg $0xFFFFFFFF  }
0xa9: {  	s28 =	simm.s32 $_size_execute0_lowered;
	s5 =	sadd.s32 s5, s6;
	[dreg:$0x0] =	wrdreg $0x0  }
0xaa: {  	s6 =	sshll.u32 s28, $0x1;
	[dreg:$0x2] =	wrdreg s5  }
0xab: {  	[dreg:$0x3] =	wrdreg s6  }
0xac: {  	[dreg:$0x4] =	wrdreg $0xC0  }
0xad: {  	_ =	task [dreg:s9], $0x5FFFF  }
0xae: {  	[dreg:$0x1] =	wrdreg $0xFFFFFFFF  }
0xaf: {  	[dreg:$0x0] =	wrdreg $0x60  }
0xb0: {  	[dreg:$0x2] =	wrdreg s2  }
0xb1: {  	[dreg:$0x3] =	wrdreg s19  }
0xb2: {  	[dreg:$0x4] =	wrdreg s4  }
0xb3: {  	[dreg:$0x5] =	wrdreg $0x0  }
0xb4: {  	[dreg:$0x6] =	wrdreg $0x9  }
0xb5: {  	_ =	task.clear_ibuf [dreg:s9], $0x7FFFF;
	_ =	strace $0x90000046  }
0xb6: {  	s29 =	simm.s32 $0x9;
	_ =	strace $0x80000048  }
0xb7: {  	_ =	swait.ge [sflag:s29], $0x1  }
0xb8: {  	[sflag:s29] =	ssyncadd.s32 $0xFFFFFFFF  }
0xb9: {  	_ =	strace $0x90000048  }
0xba: {  	_ =	sfence  }
0xbb: {  	s30 =	sld [smem:$0x0];
	_ =	sdelay $0x2  }
0xbc: {  	s31 =	sshll.u32 s1, $0xD;
	s1 =	sshrl.u32 s1, $0x2  }
0xbd: {  	s3 =	sand.u32 $0x4000, s31;
	s1 =	sadd.s32 s1, s30  }
0xbe: {  	s0 =	sor.u32 s3, s0;
	s1 =	sshll.u32 s1, $0x11  }
0xbf: {  	s0 =	sor.u32 s1, s0  }
0xc0: {  	s0 =	sadd.s32 $0x8F2B, s0  }
0xc1: {  	[sflag:s0] =	ssyncadd.remote.s32 $0x1  }
0xc2: {  	_ =	sfence.sel $0xFFFF  }
0xc3: {  	[dreg:$0x0] =	wrdreg $0xFFFFFFFF;
	(pc) =	sbr.abs _section_cstart, $3  }
0xc4: {  	[dreg:$0x1] =	wrdreg $0xFFFFFFFF  }
0xc5: {  	_ =	task.clear_ibuf [dreg:s9], $0x2FFFF;
	_ =	strace $0x9FFFFFFF  }
0xc6: {  	(tm) =	ssettm $0x7FFFFFFF  }
0xc7: {  	_ =	shalt  }
tec
execute0_lowered:
.L_overlay_start_1:
0x0: {  	(tag) =	ssettag $0x1  }
0x1: {  	s0 =	rddreg [dreg:$0x0]  }
0x2: {  	s1 =	srdreg.scid;
	s3 =	stileid.u32  }
0x3: {  	s2 =	rddreg [dreg:$0x1];
	s4 =	sand.u32 $0x1, s1;
	s17 =	sshll.u32 s3, $0x1  }
0x4: {  	s5 =	rddreg [dreg:$0x2];
	s1 =	sor.u32 s4, s17  }
0x5: {  	s30 =	rddreg [dreg:$0x4];
	s6 =	smul.u32 $0xC38, s1  }
0x6: {  	[dreg:$0x5] =	wrdreg s2  }
0x7: {  	s2 =	rddreg [dreg:$0x3];
	s6 =	smin.u32 s6, $0x17A68  }
0x8: {  	s1 =	simm.s32 $0x0;
	s7 =	sshrl.u32 s6, $0x3;
	s6 =	sshll.u32 s6, $0x4  }
0x9: {  	[smem:$0x7FF] =	sst s1;
	s0 =	sadd.s32 s0, s7;
	s25 =	sadd.s32 s5, s6  }
0xa: {  	_ =	strace $0x80000047;
	[dreg:$0x6] =	wrdreg s0;
	s18 =	sadd.s32 $0x880, s25  }
0xb: {  	s19 =	sadd.s32 $0x1100, s25;
	[dreg:$0x7] =	wrdreg s18  }
0xc: {  	s20 =	sadd.s32 $0x1980, s25;
	[dreg:$0x8] =	wrdreg s19  }
0xd: {  	s21 =	sadd.s32 $0x2200, s25;
	[dreg:$0x9] =	wrdreg s20  }
0xe: {  	s22 =	sadd.s32 $0x2A80, s25;
	[dreg:$0xa] =	wrdreg s21  }
0xf: {  	s23 =	sadd.s32 $0x3300, s25;
	[dreg:$0xb] =	wrdreg s22  }
0x10: {  	s24 =	sadd.s32 $0x3B80, s25;
	[dreg:$0xc] =	wrdreg s23  }
0x11: {  	s26 =	sadd.s32 $0x4400, s25;
	[dreg:$0xd] =	wrdreg s24  }
0x12: {  	s29 =	sadd.s32 $0x4C80, s25;
	[dreg:$0xe] =	wrdreg s26  }
0x13: {  	s31 =	sadd.s32 $0x5500, s25;
	[dreg:$0xf] =	wrdreg s29  }
0x14: {  	s5 =	sadd.s32 $0x5D80, s25;
	[dreg:$0x10] =	wrdreg s31  }
0x15: {  	s6 =	sadd.s32 $0x6600, s25;
	[dreg:$0x11] =	wrdreg s5  }
0x16: {  	s7 =	sadd.s32 $0x6E80, s25;
	[dreg:$0x12] =	wrdreg s6  }
0x17: {  	s8 =	sadd.s32 $0x7700, s25;
	[dreg:$0x13] =	wrdreg s7  }
0x18: {  	s9 =	sadd.s32 $0x7F80, s25;
	[dreg:$0x14] =	wrdreg s8  }
0x19: {  	s10 =	sadd.s32 $0x8800, s25;
	[dreg:$0x15] =	wrdreg s9  }
0x1a: {  	s28 =	simm.s32 $0xD;
	s11 =	sadd.s32 $0x9080, s25;
	[dreg:$0x16] =	wrdreg s10  }
0x1b: {  	p1 =	por $0x0, $0x0;
	s12 =	sadd.s32 $0x9900, s25;
	[dreg:$0x17] =	wrdreg s11  }
0x1c: {  	p0 =	sne.s32 s3, $0x0;
	s13 =	sadd.s32 $0xA180, s25;
	[dreg:$0x18] =	wrdreg s12  }
0x1d: {  	s3 =	simm.s32 $0x11F20;
	s15 =	sadd.s32 $0xAA00, s25;
	[dreg:$0x19] =	wrdreg s13  }
0x1e: {  	s4 =	ssub.s32 $0x2, s4;
	s16 =	sadd.s32 $0xB280, s25;
	[dreg:$0x1a] =	wrdreg s15  }
0x1f: {  	s14 =	sshrl.u32 s4, $0x1;
	s17 =	sadd.s32 $0xBB00, s25;
	[dreg:$0x1b] =	wrdreg s16  }
0x20: {  	s6 =	sadd.s32 $0x80, s2;
	s18 =	ssub.s32 s4, s14;
	[dreg:$0x1c] =	wrdreg s17  }
0x21: {  	s26 =	simm.s32 $0x2A0;
	s19 =	simm.s32 $0x328;
	s9 =	simm.s32 $0x88  }
0x22: {  	s20 =	simm.s32 $0x3B0;
	s7 =	simm.s32 $0xF20;
	[dreg:$0x1e] =	wrdreg s19  }
0x23: {  	s21 =	simm.s32 $0x438;
	s23 =	simm.s32 $0x4C0;
	[dreg:$0x1f] =	wrdreg s20  }
0x24: {  	s5 =	simm.s32 $0x9720;
	s24 =	simm.s32 $0x548;
	[smem:$0x7ED] =	sst s21  }
0x25: {  	s4 =	simm.s32 $0xDB20;
	s29 =	simm.s32 $0x5D0;
	[smem:$0x7EE] =	sst s23  }
0x26: {  	s31 =	simm.s32 $0x658;
	s15 =	simm.s32 $0x1;
	[smem:$0x7EF] =	sst s24  }
0x27: {  	s8 =	simm.s32 $0x6E0;
	s10 =	simm.s32 $0x768;
	[smem:$0x7F0] =	sst s29  }
0x28: {  	s16 =	simm.s32 $0x2;
	s11 =	simm.s32 $0x7F0;
	[smem:$0x7F1] =	sst s31  }
0x29: {  	s12 =	simm.s32 $0x878;
	s17 =	simm.s32 $0x3;
	[smem:$0x7F2] =	sst s8  }
0x2a: {  	s13 =	simm.s32 $0x900;
	s14 =	simm.s32 $0x988;
	[smem:$0x7F3] =	sst s10  }
0x2b: {  	s0 =	sshrl.u32 @!p0 s6, $0x3;
	s22 =	smax.u32 s18, $0x1;
	[smem:$0x7F4] =	sst s11  }
0x2c: {  	s6 =	simm.s32 $0x5320;
	s20 =	simm.s32 $0x16320;
	[smem:$0x7F5] =	sst s12  }
0x2d: {  	s8 =	simm.s32 $0x7;
	s10 =	simm.s32 $0x8;
	[smem:$0x7F6] =	sst s13  }
0x2e: {  	s18 =	simm.s32 $0x4;
	[smem:$0x7F7] =	sst s14;
	s19 =	simm.s32 $0xA10  }
0x2f: {  	s11 =	simm.s32 $0x9;
	s21 =	simm.s32 $0xA98;
	[dreg:$0x1d] =	wrdreg s0  }
0x30: {  	s23 =	simm.s32 $0xB20;
	[smem:$0x7F8] =	sst s19;
	s22 =	sadd.s32 $0xFFFFFFFF, s22  }
0x31: {  	s12 =	simm.s32 $0xA;
	[smem:$0x7F9] =	sst s21;
	p2 =	sne.s32 s22, $0x0  }
.Ltmp0:
0x32: {  	s24 =	simm.s32 $0xBA8;
	[smem:$0x7FA] =	sst s23;
	(pc) =	sbr.rel @!p2 .LBB2_1-.Ltmp0, $4  }
0x33: {  	s29 =	simm.s32 $0xC30;
	s13 =	simm.s32 $0xB;
	[smem:$0x7FB] =	sst s24  }
0x34: {  	s31 =	simm.s32 $0xCB8;
	s14 =	simm.s32 $0xC;
	[smem:$0x7FC] =	sst s29  }
0x35: {  	s19 =	simm.s32 $0x5;
	s21 =	simm.s32 $0x6;
	[smem:$0x7FD] =	sst s31  }
0x36: {  	s24 =	simm.s32 $0xD40;
	s23 =	simm.s32 $0xDC8;
	s0 =	rddreg [dreg:$0x1d]  }
0x37: {  	s31 =	rddreg [dreg:$0x5];
	s29 =	simm.s32 @!p0 $0x1C0D;
	s30 =	simm.s32 @!p0 $0xD  }
0x38: {  	[spmem:s0], [sflag:s29] =	dma.local @!p0 [hbm:s31], $0x530  }
0x39: {  	_ =	swait.ge @!p0 [sflag:s30], $0x530  }
0x3a: {  	[sflag:s30] =	ssyncset.done @!p0 $0x0  }
0x3b: {  	s0 =	rddreg [dreg:$0x6];
	[sflag:s30] =	ssyncadd.s32 @!p0 $0xFFFFFAD0  }
0x3c: {  	[tilespmem:s26], [sflag:$0xD] =	stream.linear.gather [hbm4b:s0+s1], $0xC38, $0x38;
	[tilespmem:$0x1A720] =	vst v63  }
0x3d: {  	_ =	swait.ge [sflag:s28], $0xC38  }
0x3e: {  	[sflag:s28] =	ssyncset.done $0x0  }
0x3f: {  	[sflag:s28] =	ssyncadd.s32 $0xFFFFF3C8  }
0x40: {  	[bflag:$0x0] =	sbarrier.arrive $0xFFFF  }
0x41: {  	s0 =	rddreg [dreg:$0x1e]  }
0x42: {  	[tilespmem:s7], [sflag:$0x1] =	stream.indirect.gather [spmem:s2], $0x80, s26, s9, $0xb8;
	[tilespmem:$0x1A720] =	vst v63  }
0x43: {  	s31 =	rddreg [dreg:$0x1f]  }
0x44: {  	[tilespmem:s6], [sflag:$0x2] =	stream.indirect.gather [spmem:s2], $0x80, s0, s9, $0xb8;
	[tilespmem:$0x1A720] =	vst v63  }
0x45: {  	s0 =	sld [smem:$0x7ED]  }
0x46: {  	[tilespmem:s5], [sflag:$0x3] =	stream.indirect.gather [spmem:s2], $0x80, s31, s9, $0xb8;
	[tilespmem:$0x1A720] =	vst v63  }
0x47: {  	s31 =	sld [smem:$0x7EE]  }
0x48: {  	[tilespmem:s4], [sflag:$0x4] =	stream.indirect.gather [spmem:s2], $0x80, s0, s9, $0xb8;
	[tilespmem:$0x1A720] =	vst v63  }
0x49: {  	_ = 	snop  }
0x4a: {  	[tilespmem:s3], [sflag:$0x5] =	stream.indirect.gather [spmem:s2], $0x80, s31, s9, $0xb8;
	[tilespmem:$0x1A720] =	vst v63  }
0x4b: {  	_ =	swait.ge [sflag:s15], $0x4400  }
0x4c: {  	[sflag:s15] =	ssyncset.done $0x0  }
0x4d: {  	s0 =	sld [smem:$0x7EF];
	[sflag:s15] =	ssyncadd.s32 $0xFFFFBC00  }
0x4e: {  	[hbm4b:s25+s1] =	stream.linear.scatter [tilespmem:s7], [sflag:$0x7], $0x4400, $0x38;
	[tilespmem:$0x1A720] =	vst v63  }
0x4f: {  	_ = 	snop  }
0x50: {  	[tilespmem:s20], [sflag:$0x6] =	stream.indirect.gather [spmem:s2], $0x80, s0, s9, $0xb8;
	[tilespmem:$0x1A720] =	vst v63  }
0x51: {  	_ =	swait.ge [sflag:s16], $0x4400  }
0x52: {  	[sflag:s16] =	ssyncset.done $0x0  }
0x53: {  	s0 =	rddreg [dreg:$0x7];
	[sflag:s16] =	ssyncadd.s32 $0xFFFFBC00  }
0x54: {  	[hbm4b:s0+s1] =	stream.linear.scatter [tilespmem:s6], [sflag:$0x8], $0x4400, $0x38;
	[tilespmem:$0x1A720] =	vst v63  }
0x55: {  	_ =	swait.ge [sflag:s8], $0x4400  }
0x56: {  	s0 =	sld [smem:$0x7F0]  }
0x57: {  	[sflag:s8] =	ssyncset.done $0x0  }
0x58: {  	[sflag:s8] =	ssyncadd.s32 $0xFFFFBC00  }
0x59: {  	[tilespmem:s7], [sflag:$0x1] =	stream.indirect.gather [spmem:s2], $0x80, s0, s9, $0xb8;
	[tilespmem:$0x1A720] =	vst v63  }
0x5a: {  	_ =	swait.ge [sflag:s17], $0x4400  }
0x5b: {  	[sflag:s17] =	ssyncset.done $0x0  }
0x5c: {  	s0 =	rddreg [dreg:$0x8];
	[sflag:s17] =	ssyncadd.s32 $0xFFFFBC00  }
0x5d: {  	[hbm4b:s0+s1] =	stream.linear.scatter [tilespmem:s5], [sflag:$0x9], $0x4400, $0x38;
	[tilespmem:$0x1A720] =	vst v63  }
0x5e: {  	_ =	swait.ge [sflag:s10], $0x4400  }
0x5f: {  	s0 =	sld [smem:$0x7F1]  }
0x60: {  	[sflag:s10] =	ssyncset.done $0x0  }
0x61: {  	[sflag:s10] =	ssyncadd.s32 $0xFFFFBC00  }
0x62: {  	[tilespmem:s6], [sflag:$0x2] =	stream.indirect.gather [spmem:s2], $0x80, s0, s9, $0xb8;
	[tilespmem:$0x1A720] =	vst v63  }
0x63: {  	_ =	swait.ge [sflag:s18], $0x4400  }
0x64: {  	[sflag:s18] =	ssyncset.done $0x0  }
0x65: {  	s0 =	rddreg [dreg:$0x9];
	[sflag:s18] =	ssyncadd.s32 $0xFFFFBC00  }
0x66: {  	[hbm4b:s0+s1] =	stream.linear.scatter [tilespmem:s4], [sflag:$0xA], $0x4400, $0x38;
	[tilespmem:$0x1A720] =	vst v63  }
0x67: {  	_ =	swait.ge [sflag:s11], $0x4400  }
0x68: {  	s0 =	sld [smem:$0x7F2]  }
0x69: {  	[sflag:s11] =	ssyncset.done $0x0  }
0x6a: {  	[sflag:s11] =	ssyncadd.s32 $0xFFFFBC00  }
0x6b: {  	[tilespmem:s5], [sflag:$0x3] =	stream.indirect.gather [spmem:s2], $0x80, s0, s9, $0xb8;
	[tilespmem:$0x1A720] =	vst v63  }
0x6c: {  	_ =	swait.ge [sflag:s19], $0x4400  }
0x6d: {  	[sflag:s19] =	ssyncset.done $0x0  }
0x6e: {  	s0 =	rddreg [dreg:$0xa];
	[sflag:s19] =	ssyncadd.s32 $0xFFFFBC00  }
0x6f: {  	[hbm4b:s0+s1] =	stream.linear.scatter [tilespmem:s3], [sflag:$0xB], $0x4400, $0x38;
	[tilespmem:$0x1A720] =	vst v63  }
0x70: {  	_ =	swait.ge [sflag:s12], $0x4400  }
0x71: {  	s0 =	sld [smem:$0x7F3]  }
0x72: {  	[sflag:s12] =	ssyncset.done $0x0  }
0x73: {  	[sflag:s12] =	ssyncadd.s32 $0xFFFFBC00  }
0x74: {  	[tilespmem:s4], [sflag:$0x4] =	stream.indirect.gather [spmem:s2], $0x80, s0, s9, $0xb8;
	[tilespmem:$0x1A720] =	vst v63  }
0x75: {  	_ =	swait.ge [sflag:s21], $0x4400  }
0x76: {  	[sflag:s21] =	ssyncset.done $0x0  }
0x77: {  	s0 =	rddreg [dreg:$0xb];
	[sflag:s21] =	ssyncadd.s32 $0xFFFFBC00  }
0x78: {  	[hbm4b:s0+s1] =	stream.linear.scatter [tilespmem:s20], [sflag:$0xC], $0x4400, $0x38;
	[tilespmem:$0x1A720] =	vst v63  }
0x79: {  	_ =	swait.ge [sflag:s13], $0x4400  }
0x7a: {  	s0 =	sld [smem:$0x7F4]  }
0x7b: {  	[sflag:s13] =	ssyncset.done $0x0  }
0x7c: {  	[sflag:s13] =	ssyncadd.s32 $0xFFFFBC00  }
0x7d: {  	[tilespmem:s3], [sflag:$0x5] =	stream.indirect.gather [spmem:s2], $0x80, s0, s9, $0xb8;
	[tilespmem:$0x1A720] =	vst v63  }
0x7e: {  	_ =	swait.ge [sflag:s15], $0x4400  }
0x7f: {  	[sflag:s15] =	ssyncset.done $0x0  }
0x80: {  	s0 =	rddreg [dreg:$0xc];
	[sflag:s15] =	ssyncadd.s32 $0xFFFFBC00  }
0x81: {  	[hbm4b:s0+s1] =	stream.linear.scatter [tilespmem:s7], [sflag:$0x7], $0x4400, $0x38;
	[tilespmem:$0x1A720] =	vst v63  }
0x82: {  	_ =	swait.ge [sflag:s14], $0x4400  }
0x83: {  	s0 =	sld [smem:$0x7F5]  }
0x84: {  	[sflag:s14] =	ssyncset.done $0x0  }
0x85: {  	[sflag:s14] =	ssyncadd.s32 $0xFFFFBC00  }
0x86: {  	[tilespmem:s20], [sflag:$0x6] =	stream.indirect.gather [spmem:s2], $0x80, s0, s9, $0xb8;
	[tilespmem:$0x1A720] =	vst v63  }
0x87: {  	_ =	swait.ge [sflag:s16], $0x4400  }
0x88: {  	[sflag:s16] =	ssyncset.done $0x0  }
0x89: {  	s0 =	rddreg [dreg:$0xd];
	[sflag:s16] =	ssyncadd.s32 $0xFFFFBC00  }
0x8a: {  	[hbm4b:s0+s1] =	stream.linear.scatter [tilespmem:s6], [sflag:$0x8], $0x4400, $0x38;
	[tilespmem:$0x1A720] =	vst v63  }
0x8b: {  	_ =	swait.ge [sflag:s8], $0x4400  }
0x8c: {  	s0 =	sld [smem:$0x7F6]  }
0x8d: {  	[sflag:s8] =	ssyncset.done $0x0  }
0x8e: {  	[sflag:s8] =	ssyncadd.s32 $0xFFFFBC00  }
0x8f: {  	[tilespmem:s7], [sflag:$0x1] =	stream.indirect.gather [spmem:s2], $0x80, s0, s9, $0xb8;
	[tilespmem:$0x1A720] =	vst v63  }
0x90: {  	_ =	swait.ge [sflag:s17], $0x4400  }
0x91: {  	[sflag:s17] =	ssyncset.done $0x0  }
0x92: {  	s0 =	rddreg [dreg:$0xe];
	[sflag:s17] =	ssyncadd.s32 $0xFFFFBC00  }
0x93: {  	[hbm4b:s0+s1] =	stream.linear.scatter [tilespmem:s5], [sflag:$0x9], $0x4400, $0x38;
	[tilespmem:$0x1A720] =	vst v63  }
0x94: {  	_ =	swait.ge [sflag:s10], $0x4400  }
0x95: {  	s0 =	sld [smem:$0x7F7]  }
0x96: {  	[sflag:s10] =	ssyncset.done $0x0  }
0x97: {  	[sflag:s10] =	ssyncadd.s32 $0xFFFFBC00  }
0x98: {  	[tilespmem:s6], [sflag:$0x2] =	stream.indirect.gather [spmem:s2], $0x80, s0, s9, $0xb8;
	[tilespmem:$0x1A720] =	vst v63  }
0x99: {  	_ =	swait.ge [sflag:s18], $0x4400  }
0x9a: {  	[sflag:s18] =	ssyncset.done $0x0  }
0x9b: {  	s0 =	rddreg [dreg:$0xf];
	[sflag:s18] =	ssyncadd.s32 $0xFFFFBC00  }
0x9c: {  	[hbm4b:s0+s1] =	stream.linear.scatter [tilespmem:s4], [sflag:$0xA], $0x4400, $0x38;
	[tilespmem:$0x1A720] =	vst v63  }
0x9d: {  	_ =	swait.ge [sflag:s11], $0x4400  }
0x9e: {  	s0 =	sld [smem:$0x7F8]  }
0x9f: {  	[sflag:s11] =	ssyncset.done $0x0  }
0xa0: {  	[sflag:s11] =	ssyncadd.s32 $0xFFFFBC00  }
0xa1: {  	[tilespmem:s5], [sflag:$0x3] =	stream.indirect.gather [spmem:s2], $0x80, s0, s9, $0xb8;
	[tilespmem:$0x1A720] =	vst v63  }
0xa2: {  	_ =	swait.ge [sflag:s19], $0x4400  }
0xa3: {  	[sflag:s19] =	ssyncset.done $0x0  }
0xa4: {  	s0 =	rddreg [dreg:$0x10];
	[sflag:s19] =	ssyncadd.s32 $0xFFFFBC00  }
0xa5: {  	[hbm4b:s0+s1] =	stream.linear.scatter [tilespmem:s3], [sflag:$0xB], $0x4400, $0x38;
	[tilespmem:$0x1A720] =	vst v63  }
0xa6: {  	_ =	swait.ge [sflag:s12], $0x4400  }
0xa7: {  	s0 =	sld [smem:$0x7F9]  }
0xa8: {  	[sflag:s12] =	ssyncset.done $0x0  }
0xa9: {  	[sflag:s12] =	ssyncadd.s32 $0xFFFFBC00  }
0xaa: {  	[tilespmem:s4], [sflag:$0x4] =	stream.indirect.gather [spmem:s2], $0x80, s0, s9, $0xb8;
	[tilespmem:$0x1A720] =	vst v63  }
0xab: {  	_ =	swait.ge [sflag:s21], $0x4400  }
0xac: {  	[sflag:s21] =	ssyncset.done $0x0  }
0xad: {  	s0 =	rddreg [dreg:$0x11];
	[sflag:s21] =	ssyncadd.s32 $0xFFFFBC00  }
0xae: {  	[hbm4b:s0+s1] =	stream.linear.scatter [tilespmem:s20], [sflag:$0xC], $0x4400, $0x38;
	[tilespmem:$0x1A720] =	vst v63  }
0xaf: {  	_ =	swait.ge [sflag:s13], $0x4400  }
0xb0: {  	s0 =	sld [smem:$0x7FA]  }
0xb1: {  	[sflag:s13] =	ssyncset.done $0x0  }
0xb2: {  	[sflag:s13] =	ssyncadd.s32 $0xFFFFBC00  }
0xb3: {  	[tilespmem:s3], [sflag:$0x5] =	stream.indirect.gather [spmem:s2], $0x80, s0, s9, $0xb8;
	[tilespmem:$0x1A720] =	vst v63  }
0xb4: {  	_ =	swait.ge [sflag:s15], $0x4400  }
0xb5: {  	[sflag:s15] =	ssyncset.done $0x0  }
0xb6: {  	s0 =	rddreg [dreg:$0x12];
	[sflag:s15] =	ssyncadd.s32 $0xFFFFBC00  }
0xb7: {  	[hbm4b:s0+s1] =	stream.linear.scatter [tilespmem:s7], [sflag:$0x7], $0x4400, $0x38;
	[tilespmem:$0x1A720] =	vst v63  }
0xb8: {  	_ =	swait.ge [sflag:s14], $0x4400  }
0xb9: {  	s0 =	sld [smem:$0x7FB]  }
0xba: {  	[sflag:s14] =	ssyncset.done $0x0  }
0xbb: {  	[sflag:s14] =	ssyncadd.s32 $0xFFFFBC00  }
0xbc: {  	[tilespmem:s20], [sflag:$0x6] =	stream.indirect.gather [spmem:s2], $0x80, s0, s9, $0xb8;
	[tilespmem:$0x1A720] =	vst v63  }
0xbd: {  	_ =	swait.ge [sflag:s16], $0x4400  }
0xbe: {  	[sflag:s16] =	ssyncset.done $0x0  }
0xbf: {  	s0 =	rddreg [dreg:$0x13];
	[sflag:s16] =	ssyncadd.s32 $0xFFFFBC00  }
0xc0: {  	[hbm4b:s0+s1] =	stream.linear.scatter [tilespmem:s6], [sflag:$0x8], $0x4400, $0x38;
	[tilespmem:$0x1A720] =	vst v63  }
0xc1: {  	_ =	swait.ge [sflag:s8], $0x4400  }
0xc2: {  	s0 =	sld [smem:$0x7FC]  }
0xc3: {  	[sflag:s8] =	ssyncset.done $0x0  }
0xc4: {  	[sflag:s8] =	ssyncadd.s32 $0xFFFFBC00  }
0xc5: {  	[tilespmem:s7], [sflag:$0x1] =	stream.indirect.gather [spmem:s2], $0x80, s0, s9, $0xb8;
	[tilespmem:$0x1A720] =	vst v63  }
0xc6: {  	_ =	swait.ge [sflag:s17], $0x4400  }
0xc7: {  	[sflag:s17] =	ssyncset.done $0x0  }
0xc8: {  	s0 =	rddreg [dreg:$0x14];
	[sflag:s17] =	ssyncadd.s32 $0xFFFFBC00  }
0xc9: {  	[hbm4b:s0+s1] =	stream.linear.scatter [tilespmem:s5], [sflag:$0x9], $0x4400, $0x38;
	[tilespmem:$0x1A720] =	vst v63  }
0xca: {  	_ =	swait.ge [sflag:s10], $0x4400  }
0xcb: {  	s0 =	sld [smem:$0x7FD]  }
0xcc: {  	[sflag:s10] =	ssyncset.done $0x0  }
0xcd: {  	[sflag:s10] =	ssyncadd.s32 $0xFFFFBC00  }
0xce: {  	[tilespmem:s6], [sflag:$0x2] =	stream.indirect.gather [spmem:s2], $0x80, s0, s9, $0xb8;
	[tilespmem:$0x1A720] =	vst v63  }
0xcf: {  	_ =	swait.ge [sflag:s18], $0x4400  }
0xd0: {  	[sflag:s18] =	ssyncset.done $0x0  }
0xd1: {  	s0 =	rddreg [dreg:$0x15];
	[sflag:s18] =	ssyncadd.s32 $0xFFFFBC00  }
0xd2: {  	[hbm4b:s0+s1] =	stream.linear.scatter [tilespmem:s4], [sflag:$0xA], $0x4400, $0x38;
	[tilespmem:$0x1A720] =	vst v63  }
0xd3: {  	_ =	swait.ge [sflag:s11], $0x4400  }
0xd4: {  	[sflag:s11] =	ssyncset.done $0x0  }
0xd5: {  	[sflag:s11] =	ssyncadd.s32 $0xFFFFBC00  }
0xd6: {  	[tilespmem:s5], [sflag:$0x3] =	stream.indirect.gather [spmem:s2], $0x80, s24, s9, $0xb8;
	[tilespmem:$0x1A720] =	vst v63  }
0xd7: {  	_ =	swait.ge [sflag:s19], $0x4400  }
0xd8: {  	[sflag:s19] =	ssyncset.done $0x0  }
0xd9: {  	s0 =	rddreg [dreg:$0x16];
	[sflag:s19] =	ssyncadd.s32 $0xFFFFBC00  }
0xda: {  	[hbm4b:s0+s1] =	stream.linear.scatter [tilespmem:s3], [sflag:$0xB], $0x4400, $0x38;
	[tilespmem:$0x1A720] =	vst v63  }
0xdb: {  	_ =	swait.ge [sflag:s12], $0x4400  }
0xdc: {  	[sflag:s12] =	ssyncset.done $0x0  }
0xdd: {  	[sflag:s12] =	ssyncadd.s32 $0xFFFFBC00  }
0xde: {  	[tilespmem:s4], [sflag:$0x4] =	stream.indirect.gather [spmem:s2], $0x80, s23, s9, $0xb8;
	[tilespmem:$0x1A720] =	vst v63  }
0xdf: {  	_ =	swait.ge [sflag:s21], $0x4400  }
0xe0: {  	[sflag:s21] =	ssyncset.done $0x0  }
0xe1: {  	s0 =	rddreg [dreg:$0x17];
	[sflag:s21] =	ssyncadd.s32 $0xFFFFBC00  }
0xe2: {  	[hbm4b:s0+s1] =	stream.linear.scatter [tilespmem:s20], [sflag:$0xC], $0x4400, $0x38;
	[tilespmem:$0x1A720] =	vst v63  }
0xe3: {  	_ =	swait.ge [sflag:s13], $0x4400  }
0xe4: {  	[sflag:s13] =	ssyncset.done $0x0  }
0xe5: {  	s0 =	simm.s32 $0xE50;
	[sflag:s13] =	ssyncadd.s32 $0xFFFFBC00  }
0xe6: {  	[tilespmem:s3], [sflag:$0x5] =	stream.indirect.gather [spmem:s2], $0x80, s0, s9, $0xb8;
	[tilespmem:$0x1A720] =	vst v63  }
0xe7: {  	_ =	swait.ge [sflag:s15], $0x4400  }
0xe8: {  	[sflag:s15] =	ssyncset.done $0x0  }
0xe9: {  	s0 =	rddreg [dreg:$0x18];
	[sflag:s15] =	ssyncadd.s32 $0xFFFFBC00  }
0xea: {  	[hbm4b:s0+s1] =	stream.linear.scatter [tilespmem:s7], [sflag:$0x7], $0x4400, $0x38;
	[tilespmem:$0x1A720] =	vst v63  }
0xeb: {  	_ =	swait.ge [sflag:s16], $0x4400  }
0xec: {  	[sflag:s16] =	ssyncset.done $0x0  }
0xed: {  	s0 =	rddreg [dreg:$0x19];
	[sflag:s16] =	ssyncadd.s32 $0xFFFFBC00  }
0xee: {  	[hbm4b:s0+s1] =	stream.linear.scatter [tilespmem:s6], [sflag:$0x8], $0x4400, $0x38;
	[tilespmem:$0x1A720] =	vst v63  }
0xef: {  	_ =	swait.ge [sflag:s17], $0x4400  }
0xf0: {  	[sflag:s17] =	ssyncset.done $0x0  }
0xf1: {  	s0 =	rddreg [dreg:$0x1a];
	[sflag:s17] =	ssyncadd.s32 $0xFFFFBC00  }
0xf2: {  	[hbm4b:s0+s1] =	stream.linear.scatter [tilespmem:s5], [sflag:$0x9], $0x4400, $0x38;
	[tilespmem:$0x1A720] =	vst v63  }
0xf3: {  	_ =	swait.ge [sflag:s18], $0x4400  }
0xf4: {  	[sflag:s18] =	ssyncset.done $0x0  }
0xf5: {  	s0 =	rddreg [dreg:$0x1b];
	[sflag:s18] =	ssyncadd.s32 $0xFFFFBC00  }
0xf6: {  	[hbm4b:s0+s1] =	stream.linear.scatter [tilespmem:s4], [sflag:$0xA], $0x4400, $0x38;
	[tilespmem:$0x1A720] =	vst v63  }
0xf7: {  	_ =	swait.ge [sflag:s19], $0x4400  }
0xf8: {  	[sflag:s19] =	ssyncset.done $0x0  }
0xf9: {  	s0 =	rddreg [dreg:$0x1c];
	[sflag:s19] =	ssyncadd.s32 $0xFFFFBC00  }
0xfa: {  	[hbm4b:s0+s1] =	stream.linear.scatter [tilespmem:s3], [sflag:$0xB], $0x4400, $0x38;
	[tilespmem:$0x1A720] =	vst v63  }
0xfb: {  	_ =	swait.ge [sflag:s8], $0x4400  }
0xfc: {  	[sflag:s8] =	ssyncset.done $0x0  }
0xfd: {  	[sflag:s8] =	ssyncadd.s32 $0xFFFFBC00  }
0xfe: {  	_ =	swait.ge [sflag:s10], $0x4400  }
0xff: {  	[sflag:s10] =	ssyncset.done $0x0  }
0x100: {  	[sflag:s10] =	ssyncadd.s32 $0xFFFFBC00  }
0x101: {  	_ =	swait.ge [sflag:s11], $0x4400  }
0x102: {  	[sflag:s11] =	ssyncset.done $0x0  }
0x103: {  	[sflag:s11] =	ssyncadd.s32 $0xFFFFBC00  }
0x104: {  	_ =	swait.ge [sflag:s12], $0x4400  }
0x105: {  	s31 =	sadd.s32 $0xFFFFFFFF, s22;
	[sflag:s12] =	ssyncset.done $0x0  }
0x106: {  	p2 =	sne.s32 s31, $0x0;
	[sflag:s12] =	ssyncadd.s32 $0xFFFFBC00  }
.Ltmp1:
0x107: {  	_ =	swait.ge [sflag:s13], $0x4400;
	(pc) =	sbr.rel @!p2 .LBB2_3-.Ltmp1, $4  }
0x108: {  	[sflag:s13] =	ssyncset.done $0x0  }
0x109: {  	[sflag:s13] =	ssyncadd.s32 $0xFFFFBC00  }
0x10a: {  	_ =	swait.ge [sflag:s14], $0x4400  }
0x10b: {  	p1 =	por $0x1, $0x1;
	s0 =	rddreg [dreg:$0x1d];
	[sflag:s14] =	ssyncset.done $0x0  }
.LBB2_4:
0x10c: {  	s22 =	rddreg [dreg:$0x5];
	[sflag:s14] =	ssyncadd.s32 $0xFFFFBC00  }
0x10d: {  	[spmem:s0], [sflag:s29] =	dma.local @!p0 [hbm:s22], $0x530  }
0x10e: {  	_ =	swait.ge @!p0 [sflag:s30], $0x530  }
0x10f: {  	[sflag:s30] =	ssyncset.done @!p0 $0x0  }
0x110: {  	s22 =	rddreg [dreg:$0x6];
	[sflag:s30] =	ssyncadd.s32 @!p0 $0xFFFFFAD0  }
0x111: {  	[tilespmem:s26], [sflag:$0xD] =	stream.linear.gather [hbm4b:s22+s1], $0xC38, $0x38;
	[tilespmem:$0x1A720] =	vst v63  }
0x112: {  	_ =	swait.ge [sflag:s28], $0xC38  }
0x113: {  	[sflag:s28] =	ssyncset.done $0x0  }
0x114: {  	[sflag:s28] =	ssyncadd.s32 $0xFFFFF3C8  }
0x115: {  	[bflag:$0x0] =	sbarrier.arrive $0xFFFF  }
0x116: {  	s0 =	rddreg [dreg:$0x1e]  }
0x117: {  	[tilespmem:s7], [sflag:$0x1] =	stream.indirect.gather [spmem:s2], $0x80, s26, s9, $0xb8;
	[tilespmem:$0x1A720] =	vst v63  }
0x118: {  	s22 =	rddreg [dreg:$0x1f]  }
0x119: {  	[tilespmem:s6], [sflag:$0x2] =	stream.indirect.gather [spmem:s2], $0x80, s0, s9, $0xb8;
	[tilespmem:$0x1A720] =	vst v63  }
0x11a: {  	s0 =	sld [smem:$0x7ED]  }
0x11b: {  	[tilespmem:s5], [sflag:$0x3] =	stream.indirect.gather [spmem:s2], $0x80, s22, s9, $0xb8;
	[tilespmem:$0x1A720] =	vst v63  }
0x11c: {  	s22 =	sld [smem:$0x7EE]  }
0x11d: {  	[tilespmem:s4], [sflag:$0x4] =	stream.indirect.gather [spmem:s2], $0x80, s0, s9, $0xb8;
	[tilespmem:$0x1A720] =	vst v63  }
0x11e: {  	_ = 	snop  }
0x11f: {  	[tilespmem:s3], [sflag:$0x5] =	stream.indirect.gather [spmem:s2], $0x80, s22, s9, $0xb8;
	[tilespmem:$0x1A720] =	vst v63  }
0x120: {  	_ =	swait.ge [sflag:s15], $0x4400  }
0x121: {  	[sflag:s15] =	ssyncset.done $0x0  }
0x122: {  	s0 =	sld [smem:$0x7EF];
	[sflag:s15] =	ssyncadd.s32 $0xFFFFBC00  }
0x123: {  	[hbm4b:s25+s1] =	stream.linear.scatter [tilespmem:s7], [sflag:$0x7], $0x4400, $0x38;
	[tilespmem:$0x1A720] =	vst v63  }
0x124: {  	_ = 	snop  }
0x125: {  	[tilespmem:s20], [sflag:$0x6] =	stream.indirect.gather [spmem:s2], $0x80, s0, s9, $0xb8;
	[tilespmem:$0x1A720] =	vst v63  }
0x126: {  	_ =	swait.ge [sflag:s16], $0x4400  }
0x127: {  	[sflag:s16] =	ssyncset.done $0x0  }
0x128: {  	s0 =	rddreg [dreg:$0x7];
	[sflag:s16] =	ssyncadd.s32 $0xFFFFBC00  }
0x129: {  	[hbm4b:s0+s1] =	stream.linear.scatter [tilespmem:s6], [sflag:$0x8], $0x4400, $0x38;
	[tilespmem:$0x1A720] =	vst v63  }
0x12a: {  	_ =	swait.ge [sflag:s8], $0x4400  }
0x12b: {  	s0 =	sld [smem:$0x7F0]  }
0x12c: {  	[sflag:s8] =	ssyncset.done $0x0  }
0x12d: {  	[sflag:s8] =	ssyncadd.s32 $0xFFFFBC00  }
0x12e: {  	[tilespmem:s7], [sflag:$0x1] =	stream.indirect.gather [spmem:s2], $0x80, s0, s9, $0xb8;
	[tilespmem:$0x1A720] =	vst v63  }
0x12f: {  	_ =	swait.ge [sflag:s17], $0x4400  }
0x130: {  	[sflag:s17] =	ssyncset.done $0x0  }
0x131: {  	s0 =	rddreg [dreg:$0x8];
	[sflag:s17] =	ssyncadd.s32 $0xFFFFBC00  }
0x132: {  	[hbm4b:s0+s1] =	stream.linear.scatter [tilespmem:s5], [sflag:$0x9], $0x4400, $0x38;
	[tilespmem:$0x1A720] =	vst v63  }
0x133: {  	_ =	swait.ge [sflag:s10], $0x4400  }
0x134: {  	s0 =	sld [smem:$0x7F1]  }
0x135: {  	[sflag:s10] =	ssyncset.done $0x0  }
0x136: {  	[sflag:s10] =	ssyncadd.s32 $0xFFFFBC00  }
0x137: {  	[tilespmem:s6], [sflag:$0x2] =	stream.indirect.gather [spmem:s2], $0x80, s0, s9, $0xb8;
	[tilespmem:$0x1A720] =	vst v63  }
0x138: {  	_ =	swait.ge [sflag:s18], $0x4400  }
0x139: {  	[sflag:s18] =	ssyncset.done $0x0  }
0x13a: {  	s0 =	rddreg [dreg:$0x9];
	[sflag:s18] =	ssyncadd.s32 $0xFFFFBC00  }
0x13b: {  	[hbm4b:s0+s1] =	stream.linear.scatter [tilespmem:s4], [sflag:$0xA], $0x4400, $0x38;
	[tilespmem:$0x1A720] =	vst v63  }
0x13c: {  	_ =	swait.ge [sflag:s11], $0x4400  }
0x13d: {  	s0 =	sld [smem:$0x7F2]  }
0x13e: {  	[sflag:s11] =	ssyncset.done $0x0  }
0x13f: {  	[sflag:s11] =	ssyncadd.s32 $0xFFFFBC00  }
0x140: {  	[tilespmem:s5], [sflag:$0x3] =	stream.indirect.gather [spmem:s2], $0x80, s0, s9, $0xb8;
	[tilespmem:$0x1A720] =	vst v63  }
0x141: {  	_ =	swait.ge [sflag:s19], $0x4400  }
0x142: {  	[sflag:s19] =	ssyncset.done $0x0  }
0x143: {  	s0 =	rddreg [dreg:$0xa];
	[sflag:s19] =	ssyncadd.s32 $0xFFFFBC00  }
0x144: {  	[hbm4b:s0+s1] =	stream.linear.scatter [tilespmem:s3], [sflag:$0xB], $0x4400, $0x38;
	[tilespmem:$0x1A720] =	vst v63  }
0x145: {  	_ =	swait.ge [sflag:s12], $0x4400  }
0x146: {  	s0 =	sld [smem:$0x7F3]  }
0x147: {  	[sflag:s12] =	ssyncset.done $0x0  }
0x148: {  	[sflag:s12] =	ssyncadd.s32 $0xFFFFBC00  }
0x149: {  	[tilespmem:s4], [sflag:$0x4] =	stream.indirect.gather [spmem:s2], $0x80, s0, s9, $0xb8;
	[tilespmem:$0x1A720] =	vst v63  }
0x14a: {  	_ =	swait.ge [sflag:s21], $0x4400  }
0x14b: {  	[sflag:s21] =	ssyncset.done $0x0  }
0x14c: {  	s0 =	rddreg [dreg:$0xb];
	[sflag:s21] =	ssyncadd.s32 $0xFFFFBC00  }
0x14d: {  	[hbm4b:s0+s1] =	stream.linear.scatter [tilespmem:s20], [sflag:$0xC], $0x4400, $0x38;
	[tilespmem:$0x1A720] =	vst v63  }
0x14e: {  	_ =	swait.ge [sflag:s13], $0x4400  }
0x14f: {  	s0 =	sld [smem:$0x7F4]  }
0x150: {  	[sflag:s13] =	ssyncset.done $0x0  }
0x151: {  	[sflag:s13] =	ssyncadd.s32 $0xFFFFBC00  }
0x152: {  	[tilespmem:s3], [sflag:$0x5] =	stream.indirect.gather [spmem:s2], $0x80, s0, s9, $0xb8;
	[tilespmem:$0x1A720] =	vst v63  }
0x153: {  	_ =	swait.ge [sflag:s15], $0x4400  }
0x154: {  	[sflag:s15] =	ssyncset.done $0x0  }
0x155: {  	s0 =	rddreg [dreg:$0xc];
	[sflag:s15] =	ssyncadd.s32 $0xFFFFBC00  }
0x156: {  	[hbm4b:s0+s1] =	stream.linear.scatter [tilespmem:s7], [sflag:$0x7], $0x4400, $0x38;
	[tilespmem:$0x1A720] =	vst v63  }
0x157: {  	_ =	swait.ge [sflag:s14], $0x4400  }
0x158: {  	s0 =	sld [smem:$0x7F5]  }
0x159: {  	[sflag:s14] =	ssyncset.done $0x0  }
0x15a: {  	[sflag:s14] =	ssyncadd.s32 $0xFFFFBC00  }
0x15b: {  	[tilespmem:s20], [sflag:$0x6] =	stream.indirect.gather [spmem:s2], $0x80, s0, s9, $0xb8;
	[tilespmem:$0x1A720] =	vst v63  }
0x15c: {  	_ =	swait.ge [sflag:s16], $0x4400  }
0x15d: {  	[sflag:s16] =	ssyncset.done $0x0  }
0x15e: {  	s0 =	rddreg [dreg:$0xd];
	[sflag:s16] =	ssyncadd.s32 $0xFFFFBC00  }
0x15f: {  	[hbm4b:s0+s1] =	stream.linear.scatter [tilespmem:s6], [sflag:$0x8], $0x4400, $0x38;
	[tilespmem:$0x1A720] =	vst v63  }
0x160: {  	_ =	swait.ge [sflag:s8], $0x4400  }
0x161: {  	s0 =	sld [smem:$0x7F6]  }
0x162: {  	[sflag:s8] =	ssyncset.done $0x0  }
0x163: {  	[sflag:s8] =	ssyncadd.s32 $0xFFFFBC00  }
0x164: {  	[tilespmem:s7], [sflag:$0x1] =	stream.indirect.gather [spmem:s2], $0x80, s0, s9, $0xb8;
	[tilespmem:$0x1A720] =	vst v63  }
0x165: {  	_ =	swait.ge [sflag:s17], $0x4400  }
0x166: {  	[sflag:s17] =	ssyncset.done $0x0  }
0x167: {  	s0 =	rddreg [dreg:$0xe];
	[sflag:s17] =	ssyncadd.s32 $0xFFFFBC00  }
0x168: {  	[hbm4b:s0+s1] =	stream.linear.scatter [tilespmem:s5], [sflag:$0x9], $0x4400, $0x38;
	[tilespmem:$0x1A720] =	vst v63  }
0x169: {  	_ =	swait.ge [sflag:s10], $0x4400  }
0x16a: {  	s0 =	sld [smem:$0x7F7]  }
0x16b: {  	[sflag:s10] =	ssyncset.done $0x0  }
0x16c: {  	[sflag:s10] =	ssyncadd.s32 $0xFFFFBC00  }
0x16d: {  	[tilespmem:s6], [sflag:$0x2] =	stream.indirect.gather [spmem:s2], $0x80, s0, s9, $0xb8;
	[tilespmem:$0x1A720] =	vst v63  }
0x16e: {  	_ =	swait.ge [sflag:s18], $0x4400  }
0x16f: {  	[sflag:s18] =	ssyncset.done $0x0  }
0x170: {  	s0 =	rddreg [dreg:$0xf];
	[sflag:s18] =	ssyncadd.s32 $0xFFFFBC00  }
0x171: {  	[hbm4b:s0+s1] =	stream.linear.scatter [tilespmem:s4], [sflag:$0xA], $0x4400, $0x38;
	[tilespmem:$0x1A720] =	vst v63  }
0x172: {  	_ =	swait.ge [sflag:s11], $0x4400  }
0x173: {  	s0 =	sld [smem:$0x7F8]  }
0x174: {  	[sflag:s11] =	ssyncset.done $0x0  }
0x175: {  	[sflag:s11] =	ssyncadd.s32 $0xFFFFBC00  }
0x176: {  	[tilespmem:s5], [sflag:$0x3] =	stream.indirect.gather [spmem:s2], $0x80, s0, s9, $0xb8;
	[tilespmem:$0x1A720] =	vst v63  }
0x177: {  	_ =	swait.ge [sflag:s19], $0x4400  }
0x178: {  	[sflag:s19] =	ssyncset.done $0x0  }
0x179: {  	s0 =	rddreg [dreg:$0x10];
	[sflag:s19] =	ssyncadd.s32 $0xFFFFBC00  }
0x17a: {  	[hbm4b:s0+s1] =	stream.linear.scatter [tilespmem:s3], [sflag:$0xB], $0x4400, $0x38;
	[tilespmem:$0x1A720] =	vst v63  }
0x17b: {  	_ =	swait.ge [sflag:s12], $0x4400  }
0x17c: {  	s0 =	sld [smem:$0x7F9]  }
0x17d: {  	[sflag:s12] =	ssyncset.done $0x0  }
0x17e: {  	[sflag:s12] =	ssyncadd.s32 $0xFFFFBC00  }
0x17f: {  	[tilespmem:s4], [sflag:$0x4] =	stream.indirect.gather [spmem:s2], $0x80, s0, s9, $0xb8;
	[tilespmem:$0x1A720] =	vst v63  }
0x180: {  	_ =	swait.ge [sflag:s21], $0x4400  }
0x181: {  	[sflag:s21] =	ssyncset.done $0x0  }
0x182: {  	s0 =	rddreg [dreg:$0x11];
	[sflag:s21] =	ssyncadd.s32 $0xFFFFBC00  }
0x183: {  	[hbm4b:s0+s1] =	stream.linear.scatter [tilespmem:s20], [sflag:$0xC], $0x4400, $0x38;
	[tilespmem:$0x1A720] =	vst v63  }
0x184: {  	_ =	swait.ge [sflag:s13], $0x4400  }
0x185: {  	s0 =	sld [smem:$0x7FA]  }
0x186: {  	[sflag:s13] =	ssyncset.done $0x0  }
0x187: {  	[sflag:s13] =	ssyncadd.s32 $0xFFFFBC00  }
0x188: {  	[tilespmem:s3], [sflag:$0x5] =	stream.indirect.gather [spmem:s2], $0x80, s0, s9, $0xb8;
	[tilespmem:$0x1A720] =	vst v63  }
0x189: {  	_ =	swait.ge [sflag:s15], $0x4400  }
0x18a: {  	[sflag:s15] =	ssyncset.done $0x0  }
0x18b: {  	s0 =	rddreg [dreg:$0x12];
	[sflag:s15] =	ssyncadd.s32 $0xFFFFBC00  }
0x18c: {  	[hbm4b:s0+s1] =	stream.linear.scatter [tilespmem:s7], [sflag:$0x7], $0x4400, $0x38;
	[tilespmem:$0x1A720] =	vst v63  }
0x18d: {  	_ =	swait.ge [sflag:s14], $0x4400  }
0x18e: {  	s0 =	sld [smem:$0x7FB]  }
0x18f: {  	[sflag:s14] =	ssyncset.done $0x0  }
0x190: {  	[sflag:s14] =	ssyncadd.s32 $0xFFFFBC00  }
0x191: {  	[tilespmem:s20], [sflag:$0x6] =	stream.indirect.gather [spmem:s2], $0x80, s0, s9, $0xb8;
	[tilespmem:$0x1A720] =	vst v63  }
0x192: {  	_ =	swait.ge [sflag:s16], $0x4400  }
0x193: {  	[sflag:s16] =	ssyncset.done $0x0  }
0x194: {  	s0 =	rddreg [dreg:$0x13];
	[sflag:s16] =	ssyncadd.s32 $0xFFFFBC00  }
0x195: {  	[hbm4b:s0+s1] =	stream.linear.scatter [tilespmem:s6], [sflag:$0x8], $0x4400, $0x38;
	[tilespmem:$0x1A720] =	vst v63  }
0x196: {  	_ =	swait.ge [sflag:s8], $0x4400  }
0x197: {  	s0 =	sld [smem:$0x7FC]  }
0x198: {  	[sflag:s8] =	ssyncset.done $0x0  }
0x199: {  	[sflag:s8] =	ssyncadd.s32 $0xFFFFBC00  }
0x19a: {  	[tilespmem:s7], [sflag:$0x1] =	stream.indirect.gather [spmem:s2], $0x80, s0, s9, $0xb8;
	[tilespmem:$0x1A720] =	vst v63  }
0x19b: {  	_ =	swait.ge [sflag:s17], $0x4400  }
0x19c: {  	[sflag:s17] =	ssyncset.done $0x0  }
0x19d: {  	s0 =	rddreg [dreg:$0x14];
	[sflag:s17] =	ssyncadd.s32 $0xFFFFBC00  }
0x19e: {  	[hbm4b:s0+s1] =	stream.linear.scatter [tilespmem:s5], [sflag:$0x9], $0x4400, $0x38;
	[tilespmem:$0x1A720] =	vst v63  }
0x19f: {  	_ =	swait.ge [sflag:s10], $0x4400  }
0x1a0: {  	s0 =	sld [smem:$0x7FD]  }
0x1a1: {  	[sflag:s10] =	ssyncset.done $0x0  }
0x1a2: {  	[sflag:s10] =	ssyncadd.s32 $0xFFFFBC00  }
0x1a3: {  	[tilespmem:s6], [sflag:$0x2] =	stream.indirect.gather [spmem:s2], $0x80, s0, s9, $0xb8;
	[tilespmem:$0x1A720] =	vst v63  }
0x1a4: {  	_ =	swait.ge [sflag:s18], $0x4400  }
0x1a5: {  	[sflag:s18] =	ssyncset.done $0x0  }
0x1a6: {  	s0 =	rddreg [dreg:$0x15];
	[sflag:s18] =	ssyncadd.s32 $0xFFFFBC00  }
0x1a7: {  	[hbm4b:s0+s1] =	stream.linear.scatter [tilespmem:s4], [sflag:$0xA], $0x4400, $0x38;
	[tilespmem:$0x1A720] =	vst v63  }
0x1a8: {  	_ =	swait.ge [sflag:s11], $0x4400  }
0x1a9: {  	[sflag:s11] =	ssyncset.done $0x0  }
0x1aa: {  	[sflag:s11] =	ssyncadd.s32 $0xFFFFBC00  }
0x1ab: {  	[tilespmem:s5], [sflag:$0x3] =	stream.indirect.gather [spmem:s2], $0x80, s24, s9, $0xb8;
	[tilespmem:$0x1A720] =	vst v63  }
0x1ac: {  	_ =	swait.ge [sflag:s19], $0x4400  }
0x1ad: {  	[sflag:s19] =	ssyncset.done $0x0  }
0x1ae: {  	s0 =	rddreg [dreg:$0x16];
	[sflag:s19] =	ssyncadd.s32 $0xFFFFBC00  }
0x1af: {  	[hbm4b:s0+s1] =	stream.linear.scatter [tilespmem:s3], [sflag:$0xB], $0x4400, $0x38;
	[tilespmem:$0x1A720] =	vst v63  }
0x1b0: {  	_ =	swait.ge [sflag:s12], $0x4400  }
0x1b1: {  	[sflag:s12] =	ssyncset.done $0x0  }
0x1b2: {  	[sflag:s12] =	ssyncadd.s32 $0xFFFFBC00  }
0x1b3: {  	[tilespmem:s4], [sflag:$0x4] =	stream.indirect.gather [spmem:s2], $0x80, s23, s9, $0xb8;
	[tilespmem:$0x1A720] =	vst v63  }
0x1b4: {  	_ =	swait.ge [sflag:s21], $0x4400  }
0x1b5: {  	[sflag:s21] =	ssyncset.done $0x0  }
0x1b6: {  	s0 =	rddreg [dreg:$0x17];
	[sflag:s21] =	ssyncadd.s32 $0xFFFFBC00  }
0x1b7: {  	[hbm4b:s0+s1] =	stream.linear.scatter [tilespmem:s20], [sflag:$0xC], $0x4400, $0x38;
	[tilespmem:$0x1A720] =	vst v63  }
0x1b8: {  	_ =	swait.ge [sflag:s13], $0x4400  }
0x1b9: {  	[sflag:s13] =	ssyncset.done $0x0  }
0x1ba: {  	s22 =	simm.s32 $0xE50;
	[sflag:s13] =	ssyncadd.s32 $0xFFFFBC00  }
0x1bb: {  	[tilespmem:s3], [sflag:$0x5] =	stream.indirect.gather [spmem:s2], $0x80, s22, s9, $0xb8;
	[tilespmem:$0x1A720] =	vst v63  }
0x1bc: {  	_ =	swait.ge [sflag:s15], $0x4400  }
0x1bd: {  	[sflag:s15] =	ssyncset.done $0x0  }
0x1be: {  	s22 =	rddreg [dreg:$0x18];
	[sflag:s15] =	ssyncadd.s32 $0xFFFFBC00  }
0x1bf: {  	[hbm4b:s22+s1] =	stream.linear.scatter [tilespmem:s7], [sflag:$0x7], $0x4400, $0x38;
	[tilespmem:$0x1A720] =	vst v63  }
0x1c0: {  	_ =	swait.ge [sflag:s16], $0x4400  }
0x1c1: {  	[sflag:s16] =	ssyncset.done $0x0  }
0x1c2: {  	s22 =	rddreg [dreg:$0x19];
	[sflag:s16] =	ssyncadd.s32 $0xFFFFBC00  }
0x1c3: {  	[hbm4b:s22+s1] =	stream.linear.scatter [tilespmem:s6], [sflag:$0x8], $0x4400, $0x38;
	[tilespmem:$0x1A720] =	vst v63  }
0x1c4: {  	_ =	swait.ge [sflag:s17], $0x4400  }
0x1c5: {  	[sflag:s17] =	ssyncset.done $0x0  }
0x1c6: {  	s22 =	rddreg [dreg:$0x1a];
	[sflag:s17] =	ssyncadd.s32 $0xFFFFBC00  }
0x1c7: {  	[hbm4b:s22+s1] =	stream.linear.scatter [tilespmem:s5], [sflag:$0x9], $0x4400, $0x38;
	[tilespmem:$0x1A720] =	vst v63  }
0x1c8: {  	_ =	swait.ge [sflag:s18], $0x4400  }
0x1c9: {  	[sflag:s18] =	ssyncset.done $0x0  }
0x1ca: {  	s22 =	rddreg [dreg:$0x1b];
	[sflag:s18] =	ssyncadd.s32 $0xFFFFBC00  }
0x1cb: {  	[hbm4b:s22+s1] =	stream.linear.scatter [tilespmem:s4], [sflag:$0xA], $0x4400, $0x38;
	[tilespmem:$0x1A720] =	vst v63  }
0x1cc: {  	_ =	swait.ge [sflag:s19], $0x4400  }
0x1cd: {  	[sflag:s19] =	ssyncset.done $0x0  }
0x1ce: {  	s22 =	rddreg [dreg:$0x1c];
	[sflag:s19] =	ssyncadd.s32 $0xFFFFBC00  }
0x1cf: {  	[hbm4b:s22+s1] =	stream.linear.scatter [tilespmem:s3], [sflag:$0xB], $0x4400, $0x38;
	[tilespmem:$0x1A720] =	vst v63  }
0x1d0: {  	_ =	swait.ge [sflag:s8], $0x4400  }
0x1d1: {  	[sflag:s8] =	ssyncset.done $0x0  }
0x1d2: {  	[sflag:s8] =	ssyncadd.s32 $0xFFFFBC00  }
0x1d3: {  	_ =	swait.ge [sflag:s10], $0x4400  }
0x1d4: {  	[sflag:s10] =	ssyncset.done $0x0  }
0x1d5: {  	[sflag:s10] =	ssyncadd.s32 $0xFFFFBC00  }
0x1d6: {  	_ =	swait.ge [sflag:s11], $0x4400  }
0x1d7: {  	[sflag:s11] =	ssyncset.done $0x0  }
0x1d8: {  	[sflag:s11] =	ssyncadd.s32 $0xFFFFBC00  }
0x1d9: {  	_ =	swait.ge [sflag:s12], $0x4400  }
0x1da: {  	s31 =	sadd.s32 $0xFFFFFFFF, s31;
	[sflag:s12] =	ssyncset.done $0x0  }
0x1db: {  	p2 =	sne.s32 s31, $0x0;
	[sflag:s12] =	ssyncadd.s32 $0xFFFFBC00  }
.Ltmp2:
0x1dc: {  	_ =	swait.ge [sflag:s13], $0x4400;
	(pc) =	sbr.rel @p2 .LBB2_4-.Ltmp2, $4  }
0x1dd: {  	[sflag:s13] =	ssyncset.done $0x0  }
0x1de: {  	[sflag:s13] =	ssyncadd.s32 $0xFFFFBC00  }
0x1df: {  	_ =	swait.ge [sflag:s14], $0x4400  }
0x1e0: {  	s0 =	rddreg [dreg:$0x1d];
	[sflag:s14] =	ssyncset.done $0x0  }
0x1e1: {  	s31 =	simm.s32 $0xE50;
	s30 =	rddreg [dreg:$0x4]  }
.LBB2_6:
0x1e2: {  	s22 =	rddreg [dreg:$0x5];
	[sflag:s14] =	ssyncadd.s32 @p1 $0xFFFFBC00;
	s29 =	simm.s32 @!p0 $0x1C0D  }
0x1e3: {  	[spmem:s0], [sflag:s29] =	dma.local @!p0 [hbm:s22], $0x530  }
0x1e4: {  	s0 =	simm.s32 @!p0 $0xD  }
0x1e5: {  	_ =	swait.ge @!p0 [sflag:s0], $0x530  }
0x1e6: {  	[sflag:s0] =	ssyncset.done @!p0 $0x0  }
0x1e7: {  	s29 =	rddreg [dreg:$0x6];
	[sflag:s0] =	ssyncadd.s32 @!p0 $0xFFFFFAD0  }
0x1e8: {  	[tilespmem:s26], [sflag:$0xD] =	stream.linear.gather [hbm4b:s29+s1], $0xC38, $0x38;
	[tilespmem:$0x1A720] =	vst v63  }
0x1e9: {  	_ =	swait.ge [sflag:s28], $0xC38  }
0x1ea: {  	[sflag:s28] =	ssyncset.done $0x0  }
0x1eb: {  	[sflag:s28] =	ssyncadd.s32 $0xFFFFF3C8  }
0x1ec: {  	[bflag:$0x0] =	sbarrier.arrive $0xFFFF  }
0x1ed: {  	s22 =	rddreg [dreg:$0x1e]  }
0x1ee: {  	[tilespmem:s7], [sflag:$0x1] =	stream.indirect.gather [spmem:s2], $0x80, s26, s9, $0xb8;
	[tilespmem:$0x1A720] =	vst v63  }
0x1ef: {  	s26 =	rddreg [dreg:$0x1f]  }
0x1f0: {  	[tilespmem:s6], [sflag:$0x2] =	stream.indirect.gather [spmem:s2], $0x80, s22, s9, $0xb8;
	[tilespmem:$0x1A720] =	vst v63  }
0x1f1: {  	s28 =	sld [smem:$0x7ED]  }
0x1f2: {  	[tilespmem:s5], [sflag:$0x3] =	stream.indirect.gather [spmem:s2], $0x80, s26, s9, $0xb8;
	[tilespmem:$0x1A720] =	vst v63  }
0x1f3: {  	s29 =	sld [smem:$0x7EE]  }
0x1f4: {  	[tilespmem:s4], [sflag:$0x4] =	stream.indirect.gather [spmem:s2], $0x80, s28, s9, $0xb8;
	[tilespmem:$0x1A720] =	vst v63  }
0x1f5: {  	_ = 	snop  }
0x1f6: {  	[tilespmem:s3], [sflag:$0x5] =	stream.indirect.gather [spmem:s2], $0x80, s29, s9, $0xb8;
	[tilespmem:$0x1A720] =	vst v63  }
0x1f7: {  	_ =	swait.ge [sflag:s15], $0x4400  }
0x1f8: {  	[sflag:s15] =	ssyncset.done $0x0  }
0x1f9: {  	s22 =	sld [smem:$0x7EF];
	[sflag:s15] =	ssyncadd.s32 $0xFFFFBC00  }
0x1fa: {  	[hbm4b:s25+s1] =	stream.linear.scatter [tilespmem:s7], [sflag:$0x7], $0x4400, $0x38;
	[tilespmem:$0x1A720] =	vst v63  }
0x1fb: {  	_ = 	snop  }
0x1fc: {  	[tilespmem:s20], [sflag:$0x6] =	stream.indirect.gather [spmem:s2], $0x80, s22, s9, $0xb8;
	[tilespmem:$0x1A720] =	vst v63  }
0x1fd: {  	_ =	swait.ge [sflag:s16], $0x4400  }
0x1fe: {  	[sflag:s16] =	ssyncset.done $0x0  }
0x1ff: {  	s25 =	rddreg [dreg:$0x7];
	[sflag:s16] =	ssyncadd.s32 $0xFFFFBC00  }
0x200: {  	[hbm4b:s25+s1] =	stream.linear.scatter [tilespmem:s6], [sflag:$0x8], $0x4400, $0x38;
	[tilespmem:$0x1A720] =	vst v63  }
0x201: {  	_ =	swait.ge [sflag:s8], $0x4400  }
0x202: {  	s26 =	sld [smem:$0x7F0]  }
0x203: {  	[sflag:s8] =	ssyncset.done $0x0  }
0x204: {  	[sflag:s8] =	ssyncadd.s32 $0xFFFFBC00  }
0x205: {  	[tilespmem:s7], [sflag:$0x1] =	stream.indirect.gather [spmem:s2], $0x80, s26, s9, $0xb8;
	[tilespmem:$0x1A720] =	vst v63  }
0x206: {  	_ =	swait.ge [sflag:s17], $0x4400  }
0x207: {  	[sflag:s17] =	ssyncset.done $0x0  }
0x208: {  	s28 =	rddreg [dreg:$0x8];
	[sflag:s17] =	ssyncadd.s32 $0xFFFFBC00  }
0x209: {  	[hbm4b:s28+s1] =	stream.linear.scatter [tilespmem:s5], [sflag:$0x9], $0x4400, $0x38;
	[tilespmem:$0x1A720] =	vst v63  }
0x20a: {  	_ =	swait.ge [sflag:s10], $0x4400  }
0x20b: {  	s29 =	sld [smem:$0x7F1]  }
0x20c: {  	[sflag:s10] =	ssyncset.done $0x0  }
0x20d: {  	[sflag:s10] =	ssyncadd.s32 $0xFFFFBC00  }
0x20e: {  	[tilespmem:s6], [sflag:$0x2] =	stream.indirect.gather [spmem:s2], $0x80, s29, s9, $0xb8;
	[tilespmem:$0x1A720] =	vst v63  }
0x20f: {  	_ =	swait.ge [sflag:s18], $0x4400  }
0x210: {  	[sflag:s18] =	ssyncset.done $0x0  }
0x211: {  	s22 =	rddreg [dreg:$0x9];
	[sflag:s18] =	ssyncadd.s32 $0xFFFFBC00  }
0x212: {  	[hbm4b:s22+s1] =	stream.linear.scatter [tilespmem:s4], [sflag:$0xA], $0x4400, $0x38;
	[tilespmem:$0x1A720] =	vst v63  }
0x213: {  	_ =	swait.ge [sflag:s11], $0x4400  }
0x214: {  	s25 =	sld [smem:$0x7F2]  }
0x215: {  	[sflag:s11] =	ssyncset.done $0x0  }
0x216: {  	[sflag:s11] =	ssyncadd.s32 $0xFFFFBC00  }
0x217: {  	[tilespmem:s5], [sflag:$0x3] =	stream.indirect.gather [spmem:s2], $0x80, s25, s9, $0xb8;
	[tilespmem:$0x1A720] =	vst v63  }
0x218: {  	_ =	swait.ge [sflag:s19], $0x4400  }
0x219: {  	[sflag:s19] =	ssyncset.done $0x0  }
0x21a: {  	s26 =	rddreg [dreg:$0xa];
	[sflag:s19] =	ssyncadd.s32 $0xFFFFBC00  }
0x21b: {  	[hbm4b:s26+s1] =	stream.linear.scatter [tilespmem:s3], [sflag:$0xB], $0x4400, $0x38;
	[tilespmem:$0x1A720] =	vst v63  }
0x21c: {  	_ =	swait.ge [sflag:s12], $0x4400  }
0x21d: {  	s28 =	sld [smem:$0x7F3]  }
0x21e: {  	[sflag:s12] =	ssyncset.done $0x0  }
0x21f: {  	[sflag:s12] =	ssyncadd.s32 $0xFFFFBC00  }
0x220: {  	[tilespmem:s4], [sflag:$0x4] =	stream.indirect.gather [spmem:s2], $0x80, s28, s9, $0xb8;
	[tilespmem:$0x1A720] =	vst v63  }
0x221: {  	_ =	swait.ge [sflag:s21], $0x4400  }
0x222: {  	[sflag:s21] =	ssyncset.done $0x0  }
0x223: {  	s29 =	rddreg [dreg:$0xb];
	[sflag:s21] =	ssyncadd.s32 $0xFFFFBC00  }
0x224: {  	[hbm4b:s29+s1] =	stream.linear.scatter [tilespmem:s20], [sflag:$0xC], $0x4400, $0x38;
	[tilespmem:$0x1A720] =	vst v63  }
0x225: {  	_ =	swait.ge [sflag:s13], $0x4400  }
0x226: {  	s22 =	sld [smem:$0x7F4]  }
0x227: {  	[sflag:s13] =	ssyncset.done $0x0  }
0x228: {  	[sflag:s13] =	ssyncadd.s32 $0xFFFFBC00  }
0x229: {  	[tilespmem:s3], [sflag:$0x5] =	stream.indirect.gather [spmem:s2], $0x80, s22, s9, $0xb8;
	[tilespmem:$0x1A720] =	vst v63  }
0x22a: {  	_ =	swait.ge [sflag:s15], $0x4400  }
0x22b: {  	[sflag:s15] =	ssyncset.done $0x0  }
0x22c: {  	s25 =	rddreg [dreg:$0xc];
	[sflag:s15] =	ssyncadd.s32 $0xFFFFBC00  }
0x22d: {  	[hbm4b:s25+s1] =	stream.linear.scatter [tilespmem:s7], [sflag:$0x7], $0x4400, $0x38;
	[tilespmem:$0x1A720] =	vst v63  }
0x22e: {  	_ =	swait.ge [sflag:s14], $0x4400  }
0x22f: {  	s26 =	sld [smem:$0x7F5]  }
0x230: {  	[sflag:s14] =	ssyncset.done $0x0  }
0x231: {  	[sflag:s14] =	ssyncadd.s32 $0xFFFFBC00  }
0x232: {  	[tilespmem:s20], [sflag:$0x6] =	stream.indirect.gather [spmem:s2], $0x80, s26, s9, $0xb8;
	[tilespmem:$0x1A720] =	vst v63  }
0x233: {  	_ =	swait.ge [sflag:s16], $0x4400  }
0x234: {  	[sflag:s16] =	ssyncset.done $0x0  }
0x235: {  	s28 =	rddreg [dreg:$0xd];
	[sflag:s16] =	ssyncadd.s32 $0xFFFFBC00  }
0x236: {  	[hbm4b:s28+s1] =	stream.linear.scatter [tilespmem:s6], [sflag:$0x8], $0x4400, $0x38;
	[tilespmem:$0x1A720] =	vst v63  }
0x237: {  	_ =	swait.ge [sflag:s8], $0x4400  }
0x238: {  	s29 =	sld [smem:$0x7F6]  }
0x239: {  	[sflag:s8] =	ssyncset.done $0x0  }
0x23a: {  	[sflag:s8] =	ssyncadd.s32 $0xFFFFBC00  }
0x23b: {  	[tilespmem:s7], [sflag:$0x1] =	stream.indirect.gather [spmem:s2], $0x80, s29, s9, $0xb8;
	[tilespmem:$0x1A720] =	vst v63  }
0x23c: {  	_ =	swait.ge [sflag:s17], $0x4400  }
0x23d: {  	[sflag:s17] =	ssyncset.done $0x0  }
0x23e: {  	s22 =	rddreg [dreg:$0xe];
	[sflag:s17] =	ssyncadd.s32 $0xFFFFBC00  }
0x23f: {  	[hbm4b:s22+s1] =	stream.linear.scatter [tilespmem:s5], [sflag:$0x9], $0x4400, $0x38;
	[tilespmem:$0x1A720] =	vst v63  }
0x240: {  	_ =	swait.ge [sflag:s10], $0x4400  }
0x241: {  	s25 =	sld [smem:$0x7F7]  }
0x242: {  	[sflag:s10] =	ssyncset.done $0x0  }
0x243: {  	[sflag:s10] =	ssyncadd.s32 $0xFFFFBC00  }
0x244: {  	[tilespmem:s6], [sflag:$0x2] =	stream.indirect.gather [spmem:s2], $0x80, s25, s9, $0xb8;
	[tilespmem:$0x1A720] =	vst v63  }
0x245: {  	_ =	swait.ge [sflag:s18], $0x4400  }
0x246: {  	[sflag:s18] =	ssyncset.done $0x0  }
0x247: {  	s26 =	rddreg [dreg:$0xf];
	[sflag:s18] =	ssyncadd.s32 $0xFFFFBC00  }
0x248: {  	[hbm4b:s26+s1] =	stream.linear.scatter [tilespmem:s4], [sflag:$0xA], $0x4400, $0x38;
	[tilespmem:$0x1A720] =	vst v63  }
0x249: {  	_ =	swait.ge [sflag:s11], $0x4400  }
0x24a: {  	s28 =	sld [smem:$0x7F8]  }
0x24b: {  	[sflag:s11] =	ssyncset.done $0x0  }
0x24c: {  	[sflag:s11] =	ssyncadd.s32 $0xFFFFBC00  }
0x24d: {  	[tilespmem:s5], [sflag:$0x3] =	stream.indirect.gather [spmem:s2], $0x80, s28, s9, $0xb8;
	[tilespmem:$0x1A720] =	vst v63  }
0x24e: {  	_ =	swait.ge [sflag:s19], $0x4400  }
0x24f: {  	[sflag:s19] =	ssyncset.done $0x0  }
0x250: {  	s29 =	rddreg [dreg:$0x10];
	[sflag:s19] =	ssyncadd.s32 $0xFFFFBC00  }
0x251: {  	[hbm4b:s29+s1] =	stream.linear.scatter [tilespmem:s3], [sflag:$0xB], $0x4400, $0x38;
	[tilespmem:$0x1A720] =	vst v63  }
0x252: {  	_ =	swait.ge [sflag:s12], $0x4400  }
0x253: {  	s22 =	sld [smem:$0x7F9]  }
0x254: {  	[sflag:s12] =	ssyncset.done $0x0  }
0x255: {  	[sflag:s12] =	ssyncadd.s32 $0xFFFFBC00  }
0x256: {  	[tilespmem:s4], [sflag:$0x4] =	stream.indirect.gather [spmem:s2], $0x80, s22, s9, $0xb8;
	[tilespmem:$0x1A720] =	vst v63  }
0x257: {  	_ =	swait.ge [sflag:s21], $0x4400  }
0x258: {  	[sflag:s21] =	ssyncset.done $0x0  }
0x259: {  	s25 =	rddreg [dreg:$0x11];
	[sflag:s21] =	ssyncadd.s32 $0xFFFFBC00  }
0x25a: {  	[hbm4b:s25+s1] =	stream.linear.scatter [tilespmem:s20], [sflag:$0xC], $0x4400, $0x38;
	[tilespmem:$0x1A720] =	vst v63  }
0x25b: {  	_ =	swait.ge [sflag:s13], $0x4400  }
0x25c: {  	s26 =	sld [smem:$0x7FA]  }
0x25d: {  	[sflag:s13] =	ssyncset.done $0x0  }
0x25e: {  	[sflag:s13] =	ssyncadd.s32 $0xFFFFBC00  }
0x25f: {  	[tilespmem:s3], [sflag:$0x5] =	stream.indirect.gather [spmem:s2], $0x80, s26, s9, $0xb8;
	[tilespmem:$0x1A720] =	vst v63  }
0x260: {  	_ =	swait.ge [sflag:s15], $0x4400  }
0x261: {  	[sflag:s15] =	ssyncset.done $0x0  }
0x262: {  	s28 =	rddreg [dreg:$0x12];
	[sflag:s15] =	ssyncadd.s32 $0xFFFFBC00  }
0x263: {  	[hbm4b:s28+s1] =	stream.linear.scatter [tilespmem:s7], [sflag:$0x7], $0x4400, $0x38;
	[tilespmem:$0x1A720] =	vst v63  }
0x264: {  	_ =	swait.ge [sflag:s14], $0x4400  }
0x265: {  	s29 =	sld [smem:$0x7FB]  }
0x266: {  	[sflag:s14] =	ssyncset.done $0x0  }
0x267: {  	[sflag:s14] =	ssyncadd.s32 $0xFFFFBC00  }
0x268: {  	[tilespmem:s20], [sflag:$0x6] =	stream.indirect.gather [spmem:s2], $0x80, s29, s9, $0xb8;
	[tilespmem:$0x1A720] =	vst v63  }
0x269: {  	_ =	swait.ge [sflag:s16], $0x4400  }
0x26a: {  	[sflag:s16] =	ssyncset.done $0x0  }
0x26b: {  	s22 =	rddreg [dreg:$0x13];
	[sflag:s16] =	ssyncadd.s32 $0xFFFFBC00  }
0x26c: {  	[hbm4b:s22+s1] =	stream.linear.scatter [tilespmem:s6], [sflag:$0x8], $0x4400, $0x38;
	[tilespmem:$0x1A720] =	vst v63  }
0x26d: {  	_ =	swait.ge [sflag:s8], $0x4400  }
0x26e: {  	s25 =	sld [smem:$0x7FC]  }
0x26f: {  	[sflag:s8] =	ssyncset.done $0x0  }
0x270: {  	[sflag:s8] =	ssyncadd.s32 $0xFFFFBC00  }
0x271: {  	[tilespmem:s7], [sflag:$0x1] =	stream.indirect.gather [spmem:s2], $0x80, s25, s9, $0xb8;
	[tilespmem:$0x1A720] =	vst v63  }
0x272: {  	_ =	swait.ge [sflag:s17], $0x4400  }
0x273: {  	[sflag:s17] =	ssyncset.done $0x0  }
0x274: {  	s26 =	rddreg [dreg:$0x14];
	[sflag:s17] =	ssyncadd.s32 $0xFFFFBC00  }
0x275: {  	[hbm4b:s26+s1] =	stream.linear.scatter [tilespmem:s5], [sflag:$0x9], $0x4400, $0x38;
	[tilespmem:$0x1A720] =	vst v63  }
0x276: {  	_ =	swait.ge [sflag:s10], $0x4400  }
0x277: {  	s28 =	sld [smem:$0x7FD]  }
0x278: {  	[sflag:s10] =	ssyncset.done $0x0  }
0x279: {  	[sflag:s10] =	ssyncadd.s32 $0xFFFFBC00  }
0x27a: {  	[tilespmem:s6], [sflag:$0x2] =	stream.indirect.gather [spmem:s2], $0x80, s28, s9, $0xb8;
	[tilespmem:$0x1A720] =	vst v63  }
0x27b: {  	_ =	swait.ge [sflag:s18], $0x4400  }
0x27c: {  	[sflag:s18] =	ssyncset.done $0x0  }
0x27d: {  	s29 =	rddreg [dreg:$0x15];
	[sflag:s18] =	ssyncadd.s32 $0xFFFFBC00  }
0x27e: {  	[hbm4b:s29+s1] =	stream.linear.scatter [tilespmem:s4], [sflag:$0xA], $0x4400, $0x38;
	[tilespmem:$0x1A720] =	vst v63  }
0x27f: {  	_ =	swait.ge [sflag:s11], $0x4400  }
0x280: {  	[sflag:s11] =	ssyncset.done $0x0  }
0x281: {  	[sflag:s11] =	ssyncadd.s32 $0xFFFFBC00  }
0x282: {  	[tilespmem:s5], [sflag:$0x3] =	stream.indirect.gather [spmem:s2], $0x80, s24, s9, $0xb8;
	[tilespmem:$0x1A720] =	vst v63  }
0x283: {  	_ =	swait.ge [sflag:s19], $0x4400  }
0x284: {  	[sflag:s19] =	ssyncset.done $0x0  }
0x285: {  	s22 =	rddreg [dreg:$0x16];
	[sflag:s19] =	ssyncadd.s32 $0xFFFFBC00  }
0x286: {  	[hbm4b:s22+s1] =	stream.linear.scatter [tilespmem:s3], [sflag:$0xB], $0x4400, $0x38;
	[tilespmem:$0x1A720] =	vst v63  }
0x287: {  	_ =	swait.ge [sflag:s12], $0x4400  }
0x288: {  	[sflag:s12] =	ssyncset.done $0x0  }
0x289: {  	[sflag:s12] =	ssyncadd.s32 $0xFFFFBC00  }
0x28a: {  	[tilespmem:s4], [sflag:$0x4] =	stream.indirect.gather [spmem:s2], $0x80, s23, s9, $0xb8;
	[tilespmem:$0x1A720] =	vst v63  }
0x28b: {  	_ =	swait.ge [sflag:s21], $0x4400  }
0x28c: {  	[sflag:s21] =	ssyncset.done $0x0  }
0x28d: {  	s24 =	rddreg [dreg:$0x17];
	[sflag:s21] =	ssyncadd.s32 $0xFFFFBC00  }
0x28e: {  	[hbm4b:s24+s1] =	stream.linear.scatter [tilespmem:s20], [sflag:$0xC], $0x4400, $0x38;
	[tilespmem:$0x1A720] =	vst v63  }
0x28f: {  	_ =	swait.ge [sflag:s13], $0x4400  }
0x290: {  	[sflag:s13] =	ssyncset.done $0x0  }
0x291: {  	[sflag:s13] =	ssyncadd.s32 $0xFFFFBC00  }
0x292: {  	[tilespmem:s3], [sflag:$0x5] =	stream.indirect.gather [spmem:s2], $0x80, s31, s9, $0xb8;
	[tilespmem:$0x1A720] =	vst v63  }
0x293: {  	_ =	swait.ge [sflag:s15], $0x4400  }
0x294: {  	[sflag:s15] =	ssyncset.done $0x0  }
0x295: {  	s25 =	rddreg [dreg:$0x18];
	[sflag:s15] =	ssyncadd.s32 $0xFFFFBC00  }
0x296: {  	[hbm4b:s25+s1] =	stream.linear.scatter [tilespmem:s7], [sflag:$0x7], $0x4400, $0x38;
	[tilespmem:$0x1A720] =	vst v63  }
0x297: {  	_ =	swait.ge [sflag:s16], $0x4400  }
0x298: {  	[sflag:s16] =	ssyncset.done $0x0  }
0x299: {  	s26 =	rddreg [dreg:$0x19];
	[sflag:s16] =	ssyncadd.s32 $0xFFFFBC00  }
0x29a: {  	[hbm4b:s26+s1] =	stream.linear.scatter [tilespmem:s6], [sflag:$0x8], $0x4400, $0x38;
	[tilespmem:$0x1A720] =	vst v63  }
0x29b: {  	_ =	swait.ge [sflag:s17], $0x4400  }
0x29c: {  	[sflag:s17] =	ssyncset.done $0x0  }
0x29d: {  	s28 =	rddreg [dreg:$0x1a];
	[sflag:s17] =	ssyncadd.s32 $0xFFFFBC00  }
0x29e: {  	[hbm4b:s28+s1] =	stream.linear.scatter [tilespmem:s5], [sflag:$0x9], $0x4400, $0x38;
	[tilespmem:$0x1A720] =	vst v63  }
0x29f: {  	_ =	swait.ge [sflag:s18], $0x4400  }
0x2a0: {  	[sflag:s18] =	ssyncset.done $0x0  }
0x2a1: {  	s29 =	rddreg [dreg:$0x1b];
	[sflag:s18] =	ssyncadd.s32 $0xFFFFBC00  }
0x2a2: {  	[hbm4b:s29+s1] =	stream.linear.scatter [tilespmem:s4], [sflag:$0xA], $0x4400, $0x38;
	[tilespmem:$0x1A720] =	vst v63  }
0x2a3: {  	_ =	swait.ge [sflag:s19], $0x4400  }
0x2a4: {  	[sflag:s19] =	ssyncset.done $0x0  }
0x2a5: {  	s31 =	rddreg [dreg:$0x1c];
	[sflag:s19] =	ssyncadd.s32 $0xFFFFBC00  }
0x2a6: {  	[hbm4b:s31+s1] =	stream.linear.scatter [tilespmem:s3], [sflag:$0xB], $0x4400, $0x38;
	[tilespmem:$0x1A720] =	vst v63  }
0x2a7: {  	_ =	swait.ge [sflag:s8], $0x4400  }
0x2a8: {  	[sflag:s8] =	ssyncset.done $0x0  }
0x2a9: {  	[sflag:s8] =	ssyncadd.s32 $0xFFFFBC00  }
0x2aa: {  	_ =	swait.ge [sflag:s10], $0x4400  }
0x2ab: {  	[sflag:s10] =	ssyncset.done $0x0  }
0x2ac: {  	[sflag:s10] =	ssyncadd.s32 $0xFFFFBC00  }
0x2ad: {  	_ =	swait.ge [sflag:s11], $0x4400  }
0x2ae: {  	[sflag:s11] =	ssyncset.done $0x0  }
0x2af: {  	[sflag:s11] =	ssyncadd.s32 $0xFFFFBC00  }
0x2b0: {  	_ =	swait.ge [sflag:s12], $0x4400  }
0x2b1: {  	[sflag:s12] =	ssyncset.done $0x0  }
0x2b2: {  	[sflag:s12] =	ssyncadd.s32 $0xFFFFBC00  }
0x2b3: {  	_ =	swait.ge [sflag:s13], $0x4400  }
0x2b4: {  	[sflag:s13] =	ssyncset.done $0x0  }
0x2b5: {  	[sflag:s13] =	ssyncadd.s32 $0xFFFFBC00  }
0x2b6: {  	_ =	swait.ge [sflag:s14], $0x4400  }
0x2b7: {  	[sflag:s14] =	ssyncset.done $0x0  }
0x2b8: {  	[sflag:s14] =	ssyncadd.s32 $0xFFFFBC00  }
0x2b9: {  	_ =	sfence.sel $0x180000  }
0x2ba: {  	[bflag:$0x0] =	sbarrier.arrive $0xFFFF  }
0x2bb: {  	_ =	strace $0x90000047  }
0x2bc: {  	s0 =	sadd.s32 @!p0 $0x100000, s30;
	[bflag:$0x2] =	sbarrier.arrive $0xFFFF  }
0x2bd: {  	[sflag:s0] =	ssyncadd.tile.s32 @!p0 $0x1;
	_ =	shalt  }
.LBB2_1:
.Ltmp3:
0x2be: {  	(pc) =	sbr.rel .LBB2_6-.Ltmp3, $2  }
0x2bf: {  	_ =	sdelay $0x2  }
0x2c0: {  	s31 =	simm.s32 $0xE50  }
.LBB2_3:
.Ltmp4:
0x2c1: {  	(pc) =	sbr.rel .LBB2_6-.Ltmp4, $2  }
0x2c2: {  	_ =	sdelay $0x2  }
0x2c3: {  	s31 =	simm.s32 $0xE50;
	s30 =	rddreg [dreg:$0x4]  }
.Lfunc_end2:
_tile_overlayer_lowered:
.L_overlay_start_2:
0x2c4: {  	(tag) =	ssettag $0x2  }
0x2c5: {  	s0 =	rddreg [dreg:$0x0];
	s2 =	stileid.u32  }
0x2c6: {  	s1 =	rddreg [dreg:$0x1];
	p0 =	sne.s32 s2, $0x0  }
0x2c7: {  	s3 =	rddreg [dreg:$0x2];
	[bflag:$0x3] =	sbarrier.arrive $0xFFFF;
	s2 =	simm.s32 @!p0 $0x1C0D  }
0x2c8: {  	[timem:s3], [sflag:s2] =	dma.local @!p0 [hbm:s0], s1  }
0x2c9: {  	s0 =	simm.s32 @!p0 $0xD  }
0x2ca: {  	_ =	swait.ge @!p0 [sflag:s0], s1  }
0x2cb: {  	s1 =	ssub.s32 @!p0 $0x0, s1;
	[sflag:s0] =	ssyncset.done @!p0 $0x0  }
0x2cc: {  	[sflag:s0] =	ssyncadd.s32 @!p0 s1  }
0x2cd: {  	[bflag:$0x3] =	sbarrier.arrive $0xFFFF  }
0x2ce: {  	_ =	shalt  }

</sc_bundles>
